<compile_context>
chip_gen: v7x
topology: tpu7x:2x2x1
jax: 0.10.2.dev20260603
libtpu: 0.0.44.dev20260713+nightly
codegen_flags: <defaults>
</compile_context>

<pallas_src>
import functools

import jax
import jax.numpy as jnp
from jax import lax
from jax.experimental import pallas as pl
from jax.experimental.pallas import tpu as pltpu
from jax.experimental.pallas import tpu_sc as plsc

_TM = 128


def _routing_tables(eid, n_tok, tm, n_exp):
    t = n_tok // tm
    p_max = t + n_exp - 1
    tok = jnp.arange(n_tok, dtype=jnp.int32)
    keys = eid * jnp.int32(n_tok) + tok
    perm = jnp.sort(keys) % jnp.int32(n_tok)
    inv_perm = jnp.zeros((n_tok,), jnp.int32).at[perm].set(tok)

    counts = jnp.bincount(eid, length=n_exp).astype(jnp.int32)
    ends = jnp.cumsum(counts)
    starts = ends - counts
    nonempty = counts > 0
    first = jnp.where(nonempty, starts // tm, 0)
    last = jnp.where(nonempty, (ends - 1) // tm, 0)
    span = jnp.where(nonempty, last - first + 1, 0)
    pair_start = jnp.cumsum(span) - span
    total = pair_start[n_exp - 1] + span[n_exp - 1]

    p = jnp.arange(p_max, dtype=jnp.int32)
    e_raw = (jnp.searchsorted(pair_start, p, side="right") - 1).astype(jnp.int32)
    e_raw = jnp.clip(e_raw, 0, n_exp - 1)
    tile_raw = jnp.clip(first[e_raw] + (p - pair_start[e_raw]), 0, t - 1)
    pad = p >= total
    experts = jnp.where(pad, jnp.take(e_raw, total - 1), e_raw)
    tiles = jnp.where(pad, t - 1, tile_raw)
    lo_g = jnp.clip(starts[experts], tiles * tm, (tiles + 1) * tm)
    hi_g = jnp.clip(ends[experts], tiles * tm, (tiles + 1) * tm)
    lo = lo_g - tiles * tm
    hi = hi_g - tiles * tm
    prev = jnp.concatenate([jnp.full((1,), -1, jnp.int32), experts[:-1]])
    newload = (experts != prev).astype(jnp.int32)
    loadidx = jnp.cumsum(newload) - 1
    load_expert = jnp.zeros((n_exp,), jnp.int32).at[loadidx].set(experts)
    n_loads = jnp.broadcast_to(loadidx[-1] + 1, (1,)).astype(jnp.int32)
    return (perm, inv_perm, tiles, experts, lo, hi, newload, loadidx,
            load_expert, n_loads)


_NSLOT = 4


def _issue_load(l, w1_hbm, w2_hbm, w1_buf, w2_buf, sem1, sem2,
                load_expert_r, n_loads_r):
    @pl.when(l < n_loads_r[0])
    def _():
        le = load_expert_r[jnp.minimum(l, load_expert_r.shape[0] - 1)]
        s = lax.rem(l, _NSLOT)
        pltpu.make_async_copy(w1_hbm.at[le], w1_buf.at[s], sem1.at[s]).start()
        pltpu.make_async_copy(w2_hbm.at[le], w2_buf.at[s], sem2.at[s]).start()


def _ffn_body(tiles_r, experts_r, lo_r, hi_r, newload_r, loadidx_r,
              load_expert_r, n_loads_r,
              x_ref, w1_hbm, b1_ref, w2_hbm, b2_ref, o_ref,
              w1_buf, w2_buf, sem1, sem2):
    i = pl.program_id(0)
    lo = lo_r[i]
    hi = hi_r[i]
    e = experts_r[i]
    l = loadidx_r[i]
    slot = lax.rem(l, _NSLOT)
    issue = functools.partial(
        _issue_load, w1_hbm=w1_hbm, w2_hbm=w2_hbm, w1_buf=w1_buf,
        w2_buf=w2_buf, sem1=sem1, sem2=sem2, load_expert_r=load_expert_r,
        n_loads_r=n_loads_r)

    @pl.when(i == 0)
    def _():
        for k in range(_NSLOT - 1):
            issue(jnp.int32(k))

    @pl.when(newload_r[i] == 1)
    def _():
        issue(l + _NSLOT - 1)
        pltpu.make_async_copy(w1_hbm.at[e], w1_buf.at[slot],
                              sem1.at[slot]).wait()

    @pl.when(lo < hi)
    def _():
        xb = x_ref[...]
        nt = (((1,), (1,)), ((), ()))
        w1 = w1_buf[slot]
        h = lax.dot_general(xb, w1, nt, preferred_element_type=jnp.float32)
        h = jnp.maximum(h + b1_ref[0], 0.0)

        @pl.when(newload_r[i] == 1)
        def _():
            pltpu.make_async_copy(w2_hbm.at[e], w2_buf.at[slot],
                                  sem2.at[slot]).wait()

        w2 = w2_buf[slot]
        y = lax.dot_general(h, w2, nt, preferred_element_type=jnp.float32)
        y = y + b2_ref[0]
        rows = lax.broadcasted_iota(jnp.int32, (xb.shape[0], 1), 0)
        m = (rows >= lo) & (rows < hi)
        o_ref[...] = jnp.where(m, y, o_ref[...])


def _grouped_ffn(x_sorted, w1, b1r, w2, b2r, tiles, experts, lo, hi,
                 newload, loadidx, load_expert, n_loads):
    n_tok, in_dim = x_sorted.shape
    n_exp, hid, _ = w1.shape
    out_dim = w2.shape[1]
    p_max = tiles.shape[0]
    grid_spec = pltpu.PrefetchScalarGridSpec(
        num_scalar_prefetch=8,
        grid=(p_max,),
        in_specs=[
            pl.BlockSpec((_TM, in_dim),
                         lambda i, tr, er, lr, hr, nl, li, le, nn: (tr[i], 0)),
            pl.BlockSpec(memory_space=pl.ANY),
            pl.BlockSpec((1, 1, hid),
                         lambda i, tr, er, lr, hr, nl, li, le, nn: (er[i], 0, 0)),
            pl.BlockSpec(memory_space=pl.ANY),
            pl.BlockSpec((1, 1, out_dim),
                         lambda i, tr, er, lr, hr, nl, li, le, nn: (er[i], 0, 0)),
        ],
        out_specs=pl.BlockSpec((_TM, out_dim),
                               lambda i, tr, er, lr, hr, nl, li, le, nn: (tr[i], 0)),
        scratch_shapes=[
            pltpu.VMEM((_NSLOT, hid, in_dim), jnp.float32),
            pltpu.VMEM((_NSLOT, out_dim, hid), jnp.float32),
            pltpu.SemaphoreType.DMA((_NSLOT,)),
            pltpu.SemaphoreType.DMA((_NSLOT,)),
        ],
    )
    return pl.pallas_call(
        _ffn_body,
        grid_spec=grid_spec,
        out_shape=jax.ShapeDtypeStruct((n_tok, out_dim), jnp.float32),
    )(tiles, experts, lo, hi, newload, loadidx, load_expert, n_loads,
      x_sorted, w1, b1r, w2, b2r)


@functools.lru_cache(maxsize=None)
def _make_sc_gather(n_rows, d):
    info = plsc.get_sparse_core_info()
    nc, ns = info.num_cores, info.num_subcores
    nw = nc * ns
    bpw = n_rows // nw
    mesh = plsc.VectorSubcoreMesh(core_axis_name="c", subcore_axis_name="s")

    @functools.partial(
        pl.kernel, mesh=mesh,
        out_type=jax.ShapeDtypeStruct((n_rows, d), jnp.float32),
        scratch_types=[
            pltpu.VMEM((bpw,), jnp.int32),
            pltpu.VMEM((bpw, d), jnp.float32),
            pltpu.SemaphoreType.DMA,
        ],
    )
    def gather_k(table_hbm, idx_hbm, out_hbm, idx_v, rows_v, sem):
        wid = lax.axis_index("s") * nc + lax.axis_index("c")
        base = wid * bpw
        pltpu.sync_copy(idx_hbm.at[pl.ds(base, bpw)], idx_v)
        pltpu.async_copy(table_hbm.at[idx_v], rows_v, sem).wait()
        pltpu.sync_copy(rows_v, out_hbm.at[pl.ds(base, bpw)])

    return gather_k


def kernel(x, Wg, bg, W1, b1, W2, b2):
    n_tok, in_dim = x.shape
    n_exp, hid, _ = W1.shape
    out_dim = W2.shape[1]

    gating_scores = x @ Wg.T + bg
    _, top_idx = lax.top_k(gating_scores, 1)
    eid = top_idx[:, 0].astype(jnp.int32)

    (perm, inv_perm, tiles, experts, lo, hi, newload, loadidx,
     load_expert, n_loads) = _routing_tables(eid, n_tok, _TM, n_exp)

    gather = _make_sc_gather(n_tok, in_dim)
    x_sorted = gather(x, perm)

    y_sorted = _grouped_ffn(
        x_sorted, W1, b1.reshape(n_exp, 1, hid), W2,
        b2.reshape(n_exp, 1, out_dim), tiles, experts, lo, hi,
        newload, loadidx, load_expert, n_loads)

    combine = _make_sc_gather(n_tok, out_dim)
    return combine(y_sorted, inv_perm)

# --- scband reference (transcript-rebuilt; emitter-appended) ---
"""Pipeline reference for scband-sparse-mo-e-8804682956825 (READ-ONLY COPY).

The authoritative reference and input builder live on the scoring server;
editing this copy changes nothing except your own understanding.
"""

import jax, jax.numpy as jnp
import numpy as np

NUM_EXPERTS = 64
TOP_K = 1
IN_DIM = 768
OUT_DIM = 768
HID_DIM = 768
N_TOK = 2048


def setup_inputs(seed: int = 0) -> dict:
    key = jax.random.key(seed)
    ks = jax.random.split(key, 8)
    x = jax.random.normal(ks[0], (N_TOK, IN_DIM), dtype=jnp.float32)
    Wg = jax.random.normal(ks[1], (NUM_EXPERTS, IN_DIM), dtype=jnp.float32) * 0.02
    bg = jnp.zeros((NUM_EXPERTS,), dtype=jnp.float32)
    W1 = jax.random.normal(ks[2], (NUM_EXPERTS, HID_DIM, IN_DIM), dtype=jnp.float32) * 0.02
    b1 = jnp.zeros((NUM_EXPERTS, HID_DIM), dtype=jnp.float32)
    W2 = jax.random.normal(ks[3], (NUM_EXPERTS, OUT_DIM, HID_DIM), dtype=jnp.float32) * 0.02
    b2 = jnp.zeros((NUM_EXPERTS, OUT_DIM), dtype=jnp.float32)
    return {"x": x, "Wg": Wg, "bg": bg, "W1": W1, "b1": b1, "W2": W2, "b2": b2}


def reference(x, Wg, bg, W1, b1, W2, b2):
    # gating network: Linear(input_dim, num_experts)
    gating_scores = x @ Wg.T + bg  # [N, E]
    top_k_scores, top_k_indices = jax.lax.top_k(gating_scores, TOP_K)  # [N, K]
    top_k_probs = jax.nn.softmax(top_k_scores, axis=1)  # softmax over the top_k dim
    out = jnp.zeros((x.shape[0], W2.shape[1]), dtype=x.dtype)
    num_experts = W1.shape[0]
    for e in range(num_experts):
        h = jax.nn.relu(x @ W1[e].T + b1[e])  # [N, H]
        y = h @ W2[e].T + b2[e]  # [N, out]
        # per-token combine weight for expert e (sum over top-k slots routed to e)
        w_e = jnp.sum(jnp.where(top_k_indices == e, top_k_probs, 0.0), axis=1)  # [N]
        out = out + w_e[:, None] * y
    return out

if __name__ == "__main__":
    import jax
    _d = setup_inputs()
    print(jax.jit(kernel)(*tuple(_d.values())))

</pallas_src>

<mosaic_0001>
#map = affine_map<(d0, d1) -> (0, 0)>
#map1 = affine_map<(d0, d1) -> (0)>
module attributes {stable_mosaic.version = 14 : i64} {
  func.func @gather_k(%arg0: i32, %arg1: i32, %arg2: memref<2048x768xf32, #tpu.memory_space<hbm>>, %arg3: memref<2048xi32, #tpu.memory_space<hbm>>, %arg4: memref<2048x768xf32, #tpu.memory_space<hbm>>, %arg5: memref<64xi32, #tpu.memory_space<vmem>>, %arg6: memref<64x768xf32, #tpu.memory_space<vmem>>, %arg7: memref<!tpu.dma_semaphore, #tpu.memory_space<semaphore_mem>>) attributes {dimension_semantics = [#tpu.dimension_semantics<core_parallel>, #tpu.dimension_semantics<subcore_parallel>], iteration_bounds = array<i64: 2, 16>, scalar_prefetch = 0 : i64, scratch_operands = 3 : i64, tpu.core_type = #tpu.core_type<sc_vector_subcore>, window_params = [{transform_indices = #map}, {transform_indices = #map1}, {transform_indices = #map}]} {
    %mul3A = arith.constant 2 : i32
    %mul3A_0 = arith.muli %arg1, %mul3A : i32
    %add3A = arith.addi %mul3A_0, %arg0 : i32
    %mul3A_1 = arith.constant 64 : i32
    %mul3A_2 = arith.muli %add3A, %mul3A_1 : i32
    "tpu.region"() ({
      %run_scoped3A = tpu.sem_alloc : memref<!tpu.dma_semaphore, #tpu.memory_space<semaphore_mem>>
      %dma_start3A_7 = tpu.memref_slice %arg3[%mul3A_2] : memref<2048xi32, #tpu.memory_space<hbm>> -> memref<64xi32, #tpu.memory_space<hbm>>
      %dma_start3A_8 = tpu.memref_slice %arg3[%mul3A_2] : memref<2048xi32, #tpu.memory_space<hbm>> -> memref<64xi32, #tpu.memory_space<hbm>>
      tpu.enqueue_dma source(%dma_start3A_8 : memref<64xi32, #tpu.memory_space<hbm>>) target(%arg5 : memref<64xi32, #tpu.memory_space<vmem>>) target_semaphore(%run_scoped3A : memref<!tpu.dma_semaphore, #tpu.memory_space<semaphore_mem>>)
      %dma_wait3A_9 = tpu.memref_slice %arg3[%mul3A_2] : memref<2048xi32, #tpu.memory_space<hbm>> -> memref<64xi32, #tpu.memory_space<hbm>>
      %dma_wait3A_10 = tpu.memref_slice %arg3[%mul3A_2] : memref<2048xi32, #tpu.memory_space<hbm>> -> memref<64xi32, #tpu.memory_space<hbm>>
      tpu.wait_dma2 semaphore(%run_scoped3A : memref<!tpu.dma_semaphore, #tpu.memory_space<semaphore_mem>>) src(%dma_wait3A_10 : memref<64xi32, #tpu.memory_space<hbm>>) dst(%arg5 : memref<64xi32, #tpu.memory_space<vmem>>)
      tpu.yield
    }) : () -> ()
    %dma_start3A = arith.constant 0 : i32
    %dma_start3A_3 = arith.constant 0 : i32
    %dma_start3A_4 = tpu.memref_slice %arg2[%dma_start3A, %dma_start3A_3] : memref<2048x768xf32, #tpu.memory_space<hbm>> -> memref<2048x768xf32, #tpu.memory_space<hbm>>
    tpu.enqueue_indirect_dma source(%dma_start3A_4 : memref<2048x768xf32, #tpu.memory_space<hbm>>) target(%arg6 : memref<64x768xf32, #tpu.memory_space<vmem>>) offsets(%arg5 : memref<64xi32, #tpu.memory_space<vmem>>) semaphore(%arg7 : memref<!tpu.dma_semaphore, #tpu.memory_space<semaphore_mem>>)
    %dma_wait3A = arith.constant 0 : i32
    %dma_wait3A_5 = arith.constant 0 : i32
    %dma_wait3A_6 = tpu.memref_slice %arg2[%dma_wait3A, %dma_wait3A_5] : memref<2048x768xf32, #tpu.memory_space<hbm>> -> memref<2048x768xf32, #tpu.memory_space<hbm>>
    tpu.wait_indirect_dma semaphore(%arg7 : memref<!tpu.dma_semaphore, #tpu.memory_space<semaphore_mem>>) src(%dma_wait3A_6 : memref<2048x768xf32, #tpu.memory_space<hbm>>) dst(%arg6 : memref<64x768xf32, #tpu.memory_space<vmem>>)
    "tpu.region"() ({
      %run_scoped3A = tpu.sem_alloc : memref<!tpu.dma_semaphore, #tpu.memory_space<semaphore_mem>>
      %dma_start3A_7 = arith.constant 0 : i32
      %dma_start3A_8 = tpu.memref_slice %arg4[%mul3A_2, %dma_start3A_7] : memref<2048x768xf32, #tpu.memory_space<hbm>> -> memref<64x768xf32, #tpu.memory_space<hbm>>
      %dma_start3A_9 = arith.constant 0 : i32
      %dma_start3A_10 = tpu.memref_slice %arg4[%mul3A_2, %dma_start3A_9] : memref<2048x768xf32, #tpu.memory_space<hbm>> -> memref<64x768xf32, #tpu.memory_space<hbm>>
      tpu.enqueue_dma source(%arg6 : memref<64x768xf32, #tpu.memory_space<vmem>>) target(%dma_start3A_10 : memref<64x768xf32, #tpu.memory_space<hbm>>) target_semaphore(%run_scoped3A : memref<!tpu.dma_semaphore, #tpu.memory_space<semaphore_mem>>)
      %dma_wait3A_11 = arith.constant 0 : i32
      %dma_wait3A_12 = tpu.memref_slice %arg4[%mul3A_2, %dma_wait3A_11] : memref<2048x768xf32, #tpu.memory_space<hbm>> -> memref<64x768xf32, #tpu.memory_space<hbm>>
      %dma_wait3A_13 = arith.constant 0 : i32
      %dma_wait3A_14 = tpu.memref_slice %arg4[%mul3A_2, %dma_wait3A_13] : memref<2048x768xf32, #tpu.memory_space<hbm>> -> memref<64x768xf32, #tpu.memory_space<hbm>>
      tpu.wait_dma2 semaphore(%run_scoped3A : memref<!tpu.dma_semaphore, #tpu.memory_space<semaphore_mem>>) src(%arg6 : memref<64x768xf32, #tpu.memory_space<vmem>>) dst(%dma_wait3A_14 : memref<64x768xf32, #tpu.memory_space<hbm>>)
      tpu.yield
    }) : () -> ()
    return
  }
}

#map = affine_map<(d0, d1) -> (0, 0)>
#map1 = affine_map<(d0, d1) -> (0)>
module attributes {stable_mosaic.version = 14 : i64} {
  func.func @gather_k(%arg0: i32, %arg1: i32, %arg2: memref<2048x768xf32, #tpu.memory_space<hbm>>, %arg3: memref<2048xi32, #tpu.memory_space<hbm>>, %arg4: memref<2048x768xf32, #tpu.memory_space<hbm>>, %arg5: memref<64xi32, #tpu.memory_space<vmem>>, %arg6: memref<64x768xf32, #tpu.memory_space<vmem>>, %arg7: memref<!tpu.dma_semaphore, #tpu.memory_space<semaphore_mem>>) attributes {dimension_semantics = [#tpu.dimension_semantics<core_parallel>, #tpu.dimension_semantics<subcore_parallel>], iteration_bounds = array<i64: 2, 16>, scalar_prefetch = 0 : i64, scratch_operands = 3 : i64, tpu.core_type = #tpu.core_type<sc_vector_subcore>, window_params = [{transform_indices = #map}, {transform_indices = #map1}, {transform_indices = #map}]} {
    %mul3A = arith.constant 2 : i32
    %mul3A_0 = arith.muli %arg1, %mul3A : i32
    %add3A = arith.addi %mul3A_0, %arg0 : i32
    %mul3A_1 = arith.constant 64 : i32
    %mul3A_2 = arith.muli %add3A, %mul3A_1 : i32
    "tpu.region"() ({
      %run_scoped3A = tpu.sem_alloc : memref<!tpu.dma_semaphore, #tpu.memory_space<semaphore_mem>>
      %dma_start3A_7 = tpu.memref_slice %arg3[%mul3A_2] : memref<2048xi32, #tpu.memory_space<hbm>> -> memref<64xi32, #tpu.memory_space<hbm>>
      %dma_start3A_8 = tpu.memref_slice %arg3[%mul3A_2] : memref<2048xi32, #tpu.memory_space<hbm>> -> memref<64xi32, #tpu.memory_space<hbm>>
      tpu.enqueue_dma source(%dma_start3A_8 : memref<64xi32, #tpu.memory_space<hbm>>) target(%arg5 : memref<64xi32, #tpu.memory_space<vmem>>) target_semaphore(%run_scoped3A : memref<!tpu.dma_semaphore, #tpu.memory_space<semaphore_mem>>)
      %dma_wait3A_9 = tpu.memref_slice %arg3[%mul3A_2] : memref<2048xi32, #tpu.memory_space<hbm>> -> memref<64xi32, #tpu.memory_space<hbm>>
      %dma_wait3A_10 = tpu.memref_slice %arg3[%mul3A_2] : memref<2048xi32, #tpu.memory_space<hbm>> -> memref<64xi32, #tpu.memory_space<hbm>>
      tpu.wait_dma2 semaphore(%run_scoped3A : memref<!tpu.dma_semaphore, #tpu.memory_space<semaphore_mem>>) src(%dma_wait3A_10 : memref<64xi32, #tpu.memory_space<hbm>>) dst(%arg5 : memref<64xi32, #tpu.memory_space<vmem>>)
      tpu.yield
    }) : () -> ()
    %dma_start3A = arith.constant 0 : i32
    %dma_start3A_3 = arith.constant 0 : i32
    %dma_start3A_4 = tpu.memref_slice %arg2[%dma_start3A, %dma_start3A_3] : memref<2048x768xf32, #tpu.memory_space<hbm>> -> memref<2048x768xf32, #tpu.memory_space<hbm>>
    tpu.enqueue_indirect_dma source(%dma_start3A_4 : memref<2048x768xf32, #tpu.memory_space<hbm>>) target(%arg6 : memref<64x768xf32, #tpu.memory_space<vmem>>) offsets(%arg5 : memref<64xi32, #tpu.memory_space<vmem>>) semaphore(%arg7 : memref<!tpu.dma_semaphore, #tpu.memory_space<semaphore_mem>>)
    %dma_wait3A = arith.constant 0 : i32
    %dma_wait3A_5 = arith.constant 0 : i32
    %dma_wait3A_6 = tpu.memref_slice %arg2[%dma_wait3A, %dma_wait3A_5] : memref<2048x768xf32, #tpu.memory_space<hbm>> -> memref<2048x768xf32, #tpu.memory_space<hbm>>
    tpu.wait_indirect_dma semaphore(%arg7 : memref<!tpu.dma_semaphore, #tpu.memory_space<semaphore_mem>>) src(%dma_wait3A_6 : memref<2048x768xf32, #tpu.memory_space<hbm>>) dst(%arg6 : memref<64x768xf32, #tpu.memory_space<vmem>>)
    "tpu.region"() ({
      %run_scoped3A = tpu.sem_alloc : memref<!tpu.dma_semaphore, #tpu.memory_space<semaphore_mem>>
      %dma_start3A_7 = arith.constant 0 : i32
      %dma_start3A_8 = tpu.memref_slice %arg4[%mul3A_2, %dma_start3A_7] : memref<2048x768xf32, #tpu.memory_space<hbm>> -> memref<64x768xf32, #tpu.memory_space<hbm>>
      %dma_start3A_9 = arith.constant 0 : i32
      %dma_start3A_10 = tpu.memref_slice %arg4[%mul3A_2, %dma_start3A_9] : memref<2048x768xf32, #tpu.memory_space<hbm>> -> memref<64x768xf32, #tpu.memory_space<hbm>>
      tpu.enqueue_dma source(%arg6 : memref<64x768xf32, #tpu.memory_space<vmem>>) target(%dma_start3A_10 : memref<64x768xf32, #tpu.memory_space<hbm>>) target_semaphore(%run_scoped3A : memref<!tpu.dma_semaphore, #tpu.memory_space<semaphore_mem>>)
      %dma_wait3A_11 = arith.constant 0 : i32
      %dma_wait3A_12 = tpu.memref_slice %arg4[%mul3A_2, %dma_wait3A_11] : memref<2048x768xf32, #tpu.memory_space<hbm>> -> memref<64x768xf32, #tpu.memory_space<hbm>>
      %dma_wait3A_13 = arith.constant 0 : i32
      %dma_wait3A_14 = tpu.memref_slice %arg4[%mul3A_2, %dma_wait3A_13] : memref<2048x768xf32, #tpu.memory_space<hbm>> -> memref<64x768xf32, #tpu.memory_space<hbm>>
      tpu.wait_dma2 semaphore(%run_scoped3A : memref<!tpu.dma_semaphore, #tpu.memory_space<semaphore_mem>>) src(%arg6 : memref<64x768xf32, #tpu.memory_space<vmem>>) dst(%dma_wait3A_14 : memref<64x768xf32, #tpu.memory_space<hbm>>)
      tpu.yield
    }) : () -> ()
    return
  }
}

module attributes {stable_mosaic.version = 14 : i64} {
  func.func @_ffn_body(%arg0: i32, %arg1: memref<79xi32, #tpu.memory_space<smem>>, %arg2: memref<79xi32, #tpu.memory_space<smem>>, %arg3: memref<79xi32, #tpu.memory_space<smem>>, %arg4: memref<79xi32, #tpu.memory_space<smem>>, %arg5: memref<79xi32, #tpu.memory_space<smem>>, %arg6: memref<79xi32, #tpu.memory_space<smem>>, %arg7: memref<64xi32, #tpu.memory_space<smem>>, %arg8: memref<1xi32, #tpu.memory_space<smem>>, %arg9: memref<128x768xf32, #tpu.memory_space<vmem>>, %arg10: memref<64x768x768xf32, #tpu.memory_space<any>>, %arg11: memref<1x1x768xf32, #tpu.memory_space<vmem>>, %arg12: memref<64x768x768xf32, #tpu.memory_space<any>>, %arg13: memref<1x1x768xf32, #tpu.memory_space<vmem>>, %arg14: memref<128x768xf32, #tpu.memory_space<vmem>>, %arg15: memref<4x768x768xf32, #tpu.memory_space<vmem>>, %arg16: memref<4x768x768xf32, #tpu.memory_space<vmem>>, %arg17: memref<4x!tpu.dma_semaphore, #tpu.memory_space<semaphore_mem>>, %arg18: memref<4x!tpu.dma_semaphore, #tpu.memory_space<semaphore_mem>>) attributes {dimension_semantics = [#tpu.dimension_semantics<arbitrary>], iteration_bounds = array<i64: 79>, scalar_prefetch = 8 : i64, scratch_operands = 4 : i64, tpu.core_type = #tpu.core_type<tc>, window_params = [{transform_indices = @transform_0, window_bounds = array<i64: 128, 768>}, {}, {transform_indices = @transform_2, window_bounds = array<i64: 1, 1, 768>}, {}, {transform_indices = @transform_4, window_bounds = array<i64: 1, 1, 768>}, {transform_indices = @transform_5, window_bounds = array<i64: 128, 768>}]} {
    %get3A = arith.index_cast %arg0 : i32 to index
    %get3A_0 = memref.load %arg3[%get3A] : memref<79xi32, #tpu.memory_space<smem>>
    %get3A_1 = arith.index_cast %arg0 : i32 to index
    %get3A_2 = memref.load %arg4[%get3A_1] : memref<79xi32, #tpu.memory_space<smem>>
    %get3A_3 = arith.index_cast %arg0 : i32 to index
    %get3A_4 = memref.load %arg2[%get3A_3] : memref<79xi32, #tpu.memory_space<smem>>
    %get3A_5 = arith.index_cast %arg0 : i32 to index
    %get3A_6 = memref.load %arg6[%get3A_5] : memref<79xi32, #tpu.memory_space<smem>>
    %rem3A = arith.constant 4 : i32
    %rem3A_7 = arith.remsi %get3A_6, %rem3A : i32
    %eq3A = arith.constant 0 : i32
    %eq3A_8 = arith.cmpi eq, %arg0, %eq3A : i32
    %convert_element_type3A = arith.extui %eq3A_8 : i1 to i32
    %cond3A = arith.constant 0 : i32
    %cond3A_9 = arith.cmpi ne, %convert_element_type3A, %cond3A : i32
    scf.if %cond3A_9 {
      %get3A_20 = arith.constant 0 : index
      %get3A_21 = memref.load %arg8[%get3A_20] : memref<1xi32, #tpu.memory_space<smem>>
      %lt3A_22 = arith.constant 0 : i32
      %lt3A_23 = arith.cmpi slt, %lt3A_22, %get3A_21 : i32
      %convert_element_type3A_24 = arith.extui %lt3A_23 : i1 to i32
      %cond3A_25 = arith.constant 0 : i32
      %cond3A_26 = arith.constant 0 : i32
      %cond3A_27 = arith.cmpi ne, %convert_element_type3A_24, %cond3A_26 : i32
      scf.if %cond3A_27 {
        %min3A = arith.constant 63 : i32
        %min3A_44 = arith.minsi %cond3A_25, %min3A : i32
        %get3A_45 = arith.index_cast %min3A_44 : i32 to index
        %get3A_46 = memref.load %arg7[%get3A_45] : memref<64xi32, #tpu.memory_space<smem>>
        %rem3A_47 = arith.constant 4 : i32
        %rem3A_48 = arith.remsi %cond3A_25, %rem3A_47 : i32
        %dma_start3A = tpu.memref_slice %arg17[%rem3A_48] : memref<4x!tpu.dma_semaphore, #tpu.memory_space<semaphore_mem>> -> memref<1x!tpu.dma_semaphore, #tpu.memory_space<semaphore_mem>>
        %dma_start3A_49 = tpu.memref_squeeze %dma_start3A : memref<1x!tpu.dma_semaphore, #tpu.memory_space<semaphore_mem>> -> memref<!tpu.dma_semaphore, #tpu.memory_space<semaphore_mem>>
        %dma_start3A_50 = arith.constant 0 : i32
        %dma_start3A_51 = arith.constant 0 : i32
        %dma_start3A_52 = tpu.memref_slice %arg15[%rem3A_48, %dma_start3A_50, %dma_start3A_51] : memref<4x768x768xf32, #tpu.memory_space<vmem>> -> memref<1x768x768xf32, #tpu.memory_space<vmem>>
        %dma_start3A_53 = tpu.memref_squeeze %dma_start3A_52 : memref<1x768x768xf32, #tpu.memory_space<vmem>> -> memref<768x768xf32, #tpu.memory_space<vmem>>
        %dma_start3A_54 = arith.constant 0 : i32
        %dma_start3A_55 = arith.constant 0 : i32
        %dma_start3A_56 = tpu.memref_slice %arg10[%get3A_46, %dma_start3A_54, %dma_start3A_55] : memref<64x768x768xf32, #tpu.memory_space<any>> -> memref<1x768x768xf32, #tpu.memory_space<any>>
        %dma_start3A_57 = tpu.memref_squeeze %dma_start3A_56 : memref<1x768x768xf32, #tpu.memory_space<any>> -> memref<768x768xf32, #tpu.memory_space<any>>
        tpu.enqueue_dma source(%dma_start3A_57 : memref<768x768xf32, #tpu.memory_space<any>>) target(%dma_start3A_53 : memref<768x768xf32, #tpu.memory_space<vmem>>) target_semaphore(%dma_start3A_49 : memref<!tpu.dma_semaphore, #tpu.memory_space<semaphore_mem>>)
        %dma_start3A_58 = tpu.memref_slice %arg18[%rem3A_48] : memref<4x!tpu.dma_semaphore, #tpu.memory_space<semaphore_mem>> -> memref<1x!tpu.dma_semaphore, #tpu.memory_space<semaphore_mem>>
        %dma_start3A_59 = tpu.memref_squeeze %dma_start3A_58 : memref<1x!tpu.dma_semaphore, #tpu.memory_space<semaphore_mem>> -> memref<!tpu.dma_semaphore, #tpu.memory_space<semaphore_mem>>
        %dma_start3A_60 = arith.constant 0 : i32
        %dma_start3A_61 = arith.constant 0 : i32
        %dma_start3A_62 = tpu.memref_slice %arg16[%rem3A_48, %dma_start3A_60, %dma_start3A_61] : memref<4x768x768xf32, #tpu.memory_space<vmem>> -> memref<1x768x768xf32, #tpu.memory_space<vmem>>
        %dma_start3A_63 = tpu.memref_squeeze %dma_start3A_62 : memref<1x768x768xf32, #tpu.memory_space<vmem>> -> memref<768x768xf32, #tpu.memory_space<vmem>>
        %dma_start3A_64 = arith.constant 0 : i32
        %dma_start3A_65 = arith.constant 0 : i32
        %dma_start3A_66 = tpu.memref_slice %arg12[%get3A_46, %dma_start3A_64, %dma_start3A_65] : memref<64x768x768xf32, #tpu.memory_space<any>> -> memref<1x768x768xf32, #tpu.memory_space<any>>
        %dma_start3A_67 = tpu.memref_squeeze %dma_start3A_66 : memref<1x768x768xf32, #tpu.memory_space<any>> -> memref<768x768xf32, #tpu.memory_space<any>>
        tpu.enqueue_dma source(%dma_start3A_67 : memref<768x768xf32, #tpu.memory_space<any>>) target(%dma_start3A_63 : memref<768x768xf32, #tpu.memory_space<vmem>>) target_semaphore(%dma_start3A_59 : memref<!tpu.dma_semaphore, #tpu.memory_space<semaphore_mem>>)
      } else {
      }
      %get3A_28 = arith.constant 0 : index
      %get3A_29 = memref.load %arg8[%get3A_28] : memref<1xi32, #tpu.memory_space<smem>>
      %lt3A_30 = arith.constant 1 : i32
      %lt3A_31 = arith.cmpi slt, %lt3A_30, %get3A_29 : i32
      %convert_element_type3A_32 = arith.extui %lt3A_31 : i1 to i32
      %cond3A_33 = arith.constant 1 : i32
      %cond3A_34 = arith.constant 0 : i32
      %cond3A_35 = arith.cmpi ne, %convert_element_type3A_32, %cond3A_34 : i32
      scf.if %cond3A_35 {
        %min3A = arith.constant 63 : i32
        %min3A_44 = arith.minsi %cond3A_33, %min3A : i32
        %get3A_45 = arith.index_cast %min3A_44 : i32 to index
        %get3A_46 = memref.load %arg7[%get3A_45] : memref<64xi32, #tpu.memory_space<smem>>
        %rem3A_47 = arith.constant 4 : i32
        %rem3A_48 = arith.remsi %cond3A_33, %rem3A_47 : i32
        %dma_start3A = tpu.memref_slice %arg17[%rem3A_48] : memref<4x!tpu.dma_semaphore, #tpu.memory_space<semaphore_mem>> -> memref<1x!tpu.dma_semaphore, #tpu.memory_space<semaphore_mem>>
        %dma_start3A_49 = tpu.memref_squeeze %dma_start3A : memref<1x!tpu.dma_semaphore, #tpu.memory_space<semaphore_mem>> -> memref<!tpu.dma_semaphore, #tpu.memory_space<semaphore_mem>>
        %dma_start3A_50 = arith.constant 0 : i32
        %dma_start3A_51 = arith.constant 0 : i32
        %dma_start3A_52 = tpu.memref_slice %arg15[%rem3A_48, %dma_start3A_50, %dma_start3A_51] : memref<4x768x768xf32, #tpu.memory_space<vmem>> -> memref<1x768x768xf32, #tpu.memory_space<vmem>>
        %dma_start3A_53 = tpu.memref_squeeze %dma_start3A_52 : memref<1x768x768xf32, #tpu.memory_space<vmem>> -> memref<768x768xf32, #tpu.memory_space<vmem>>
        %dma_start3A_54 = arith.constant 0 : i32
        %dma_start3A_55 = arith.constant 0 : i32
        %dma_start3A_56 = tpu.memref_slice %arg10[%get3A_46, %dma_start3A_54, %dma_start3A_55] : memref<64x768x768xf32, #tpu.memory_space<any>> -> memref<1x768x768xf32, #tpu.memory_space<any>>
        %dma_start3A_57 = tpu.memref_squeeze %dma_start3A_56 : memref<1x768x768xf32, #tpu.memory_space<any>> -> memref<768x768xf32, #tpu.memory_space<any>>
        tpu.enqueue_dma source(%dma_start3A_57 : memref<768x768xf32, #tpu.memory_space<any>>) target(%dma_start3A_53 : memref<768x768xf32, #tpu.memory_space<vmem>>) target_semaphore(%dma_start3A_49 : memref<!tpu.dma_semaphore, #tpu.memory_space<semaphore_mem>>)
        %dma_start3A_58 = tpu.memref_slice %arg18[%rem3A_48] : memref<4x!tpu.dma_semaphore, #tpu.memory_space<semaphore_mem>> -> memref<1x!tpu.dma_semaphore, #tpu.memory_space<semaphore_mem>>
        %dma_start3A_59 = tpu.memref_squeeze %dma_start3A_58 : memref<1x!tpu.dma_semaphore, #tpu.memory_space<semaphore_mem>> -> memref<!tpu.dma_semaphore, #tpu.memory_space<semaphore_mem>>
        %dma_start3A_60 = arith.constant 0 : i32
        %dma_start3A_61 = arith.constant 0 : i32
        %dma_start3A_62 = tpu.memref_slice %arg16[%rem3A_48, %dma_start3A_60, %dma_start3A_61] : memref<4x768x768xf32, #tpu.memory_space<vmem>> -> memref<1x768x768xf32, #tpu.memory_space<vmem>>
        %dma_start3A_63 = tpu.memref_squeeze %dma_start3A_62 : memref<1x768x768xf32, #tpu.memory_space<vmem>> -> memref<768x768xf32, #tpu.memory_space<vmem>>
        %dma_start3A_64 = arith.constant 0 : i32
        %dma_start3A_65 = arith.constant 0 : i32
        %dma_start3A_66 = tpu.memref_slice %arg12[%get3A_46, %dma_start3A_64, %dma_start3A_65] : memref<64x768x768xf32, #tpu.memory_space<any>> -> memref<1x768x768xf32, #tpu.memory_space<any>>
        %dma_start3A_67 = tpu.memref_squeeze %dma_start3A_66 : memref<1x768x768xf32, #tpu.memory_space<any>> -> memref<768x768xf32, #tpu.memory_space<any>>
        tpu.enqueue_dma source(%dma_start3A_67 : memref<768x768xf32, #tpu.memory_space<any>>) target(%dma_start3A_63 : memref<768x768xf32, #tpu.memory_space<vmem>>) target_semaphore(%dma_start3A_59 : memref<!tpu.dma_semaphore, #tpu.memory_space<semaphore_mem>>)
      } else {
      }
      %get3A_36 = arith.constant 0 : index
      %get3A_37 = memref.load %arg8[%get3A_36] : memref<1xi32, #tpu.memory_space<smem>>
      %lt3A_38 = arith.constant 2 : i32
      %lt3A_39 = arith.cmpi slt, %lt3A_38, %get3A_37 : i32
      %convert_element_type3A_40 = arith.extui %lt3A_39 : i1 to i32
      %cond3A_41 = arith.constant 2 : i32
      %cond3A_42 = arith.constant 0 : i32
      %cond3A_43 = arith.cmpi ne, %convert_element_type3A_40, %cond3A_42 : i32
      scf.if %cond3A_43 {
        %min3A = arith.constant 63 : i32
        %min3A_44 = arith.minsi %cond3A_41, %min3A : i32
        %get3A_45 = arith.index_cast %min3A_44 : i32 to index
        %get3A_46 = memref.load %arg7[%get3A_45] : memref<64xi32, #tpu.memory_space<smem>>
        %rem3A_47 = arith.constant 4 : i32
        %rem3A_48 = arith.remsi %cond3A_41, %rem3A_47 : i32
        %dma_start3A = tpu.memref_slice %arg17[%rem3A_48] : memref<4x!tpu.dma_semaphore, #tpu.memory_space<semaphore_mem>> -> memref<1x!tpu.dma_semaphore, #tpu.memory_space<semaphore_mem>>
        %dma_start3A_49 = tpu.memref_squeeze %dma_start3A : memref<1x!tpu.dma_semaphore, #tpu.memory_space<semaphore_mem>> -> memref<!tpu.dma_semaphore, #tpu.memory_space<semaphore_mem>>
        %dma_start3A_50 = arith.constant 0 : i32
        %dma_start3A_51 = arith.constant 0 : i32
        %dma_start3A_52 = tpu.memref_slice %arg15[%rem3A_48, %dma_start3A_50, %dma_start3A_51] : memref<4x768x768xf32, #tpu.memory_space<vmem>> -> memref<1x768x768xf32, #tpu.memory_space<vmem>>
        %dma_start3A_53 = tpu.memref_squeeze %dma_start3A_52 : memref<1x768x768xf32, #tpu.memory_space<vmem>> -> memref<768x768xf32, #tpu.memory_space<vmem>>
        %dma_start3A_54 = arith.constant 0 : i32
        %dma_start3A_55 = arith.constant 0 : i32
        %dma_start3A_56 = tpu.memref_slice %arg10[%get3A_46, %dma_start3A_54, %dma_start3A_55] : memref<64x768x768xf32, #tpu.memory_space<any>> -> memref<1x768x768xf32, #tpu.memory_space<any>>
        %dma_start3A_57 = tpu.memref_squeeze %dma_start3A_56 : memref<1x768x768xf32, #tpu.memory_space<any>> -> memref<768x768xf32, #tpu.memory_space<any>>
        tpu.enqueue_dma source(%dma_start3A_57 : memref<768x768xf32, #tpu.memory_space<any>>) target(%dma_start3A_53 : memref<768x768xf32, #tpu.memory_space<vmem>>) target_semaphore(%dma_start3A_49 : memref<!tpu.dma_semaphore, #tpu.memory_space<semaphore_mem>>)
        %dma_start3A_58 = tpu.memref_slice %arg18[%rem3A_48] : memref<4x!tpu.dma_semaphore, #tpu.memory_space<semaphore_mem>> -> memref<1x!tpu.dma_semaphore, #tpu.memory_space<semaphore_mem>>
        %dma_start3A_59 = tpu.memref_squeeze %dma_start3A_58 : memref<1x!tpu.dma_semaphore, #tpu.memory_space<semaphore_mem>> -> memref<!tpu.dma_semaphore, #tpu.memory_space<semaphore_mem>>
        %dma_start3A_60 = arith.constant 0 : i32
        %dma_start3A_61 = arith.constant 0 : i32
        %dma_start3A_62 = tpu.memref_slice %arg16[%rem3A_48, %dma_start3A_60, %dma_start3A_61] : memref<4x768x768xf32, #tpu.memory_space<vmem>> -> memref<1x768x768xf32, #tpu.memory_space<vmem>>
        %dma_start3A_63 = tpu.memref_squeeze %dma_start3A_62 : memref<1x768x768xf32, #tpu.memory_space<vmem>> -> memref<768x768xf32, #tpu.memory_space<vmem>>
        %dma_start3A_64 = arith.constant 0 : i32
        %dma_start3A_65 = arith.constant 0 : i32
        %dma_start3A_66 = tpu.memref_slice %arg12[%get3A_46, %dma_start3A_64, %dma_start3A_65] : memref<64x768x768xf32, #tpu.memory_space<any>> -> memref<1x768x768xf32, #tpu.memory_space<any>>
        %dma_start3A_67 = tpu.memref_squeeze %dma_start3A_66 : memref<1x768x768xf32, #tpu.memory_space<any>> -> memref<768x768xf32, #tpu.memory_space<any>>
        tpu.enqueue_dma source(%dma_start3A_67 : memref<768x768xf32, #tpu.memory_space<any>>) target(%dma_start3A_63 : memref<768x768xf32, #tpu.memory_space<vmem>>) target_semaphore(%dma_start3A_59 : memref<!tpu.dma_semaphore, #tpu.memory_space<semaphore_mem>>)
      } else {
      }
    } else {
    }
    %get3A_10 = arith.index_cast %arg0 : i32 to index
    %get3A_11 = memref.load %arg5[%get3A_10] : memref<79xi32, #tpu.memory_space<smem>>
    %eq3A_12 = arith.constant 1 : i32
    %eq3A_13 = arith.cmpi eq, %get3A_11, %eq3A_12 : i32
    %convert_element_type3A_14 = arith.extui %eq3A_13 : i1 to i32
    %cond3A_15 = arith.constant 0 : i32
    %cond3A_16 = arith.cmpi ne, %convert_element_type3A_14, %cond3A_15 : i32
    scf.if %cond3A_16 {
      %add3A = arith.constant 4 : i32
      %add3A_20 = arith.addi %get3A_6, %add3A : i32
      %sub3A = arith.constant 1 : i32
      %sub3A_21 = arith.subi %add3A_20, %sub3A : i32
      %get3A_22 = arith.constant 0 : index
      %get3A_23 = memref.load %arg8[%get3A_22] : memref<1xi32, #tpu.memory_space<smem>>
      %lt3A_24 = arith.cmpi slt, %sub3A_21, %get3A_23 : i32
      %convert_element_type3A_25 = arith.extui %lt3A_24 : i1 to i32
      %cond3A_26 = arith.constant 0 : i32
      %cond3A_27 = arith.cmpi ne, %convert_element_type3A_25, %cond3A_26 : i32
      scf.if %cond3A_27 {
        %min3A = arith.constant 63 : i32
        %min3A_37 = arith.minsi %sub3A_21, %min3A : i32
        %get3A_38 = arith.index_cast %min3A_37 : i32 to index
        %get3A_39 = memref.load %arg7[%get3A_38] : memref<64xi32, #tpu.memory_space<smem>>
        %rem3A_40 = arith.constant 4 : i32
        %rem3A_41 = arith.remsi %sub3A_21, %rem3A_40 : i32
        %dma_start3A = tpu.memref_slice %arg17[%rem3A_41] : memref<4x!tpu.dma_semaphore, #tpu.memory_space<semaphore_mem>> -> memref<1x!tpu.dma_semaphore, #tpu.memory_space<semaphore_mem>>
        %dma_start3A_42 = tpu.memref_squeeze %dma_start3A : memref<1x!tpu.dma_semaphore, #tpu.memory_space<semaphore_mem>> -> memref<!tpu.dma_semaphore, #tpu.memory_space<semaphore_mem>>
        %dma_start3A_43 = arith.constant 0 : i32
        %dma_start3A_44 = arith.constant 0 : i32
        %dma_start3A_45 = tpu.memref_slice %arg15[%rem3A_41, %dma_start3A_43, %dma_start3A_44] : memref<4x768x768xf32, #tpu.memory_space<vmem>> -> memref<1x768x768xf32, #tpu.memory_space<vmem>>
        %dma_start3A_46 = tpu.memref_squeeze %dma_start3A_45 : memref<1x768x768xf32, #tpu.memory_space<vmem>> -> memref<768x768xf32, #tpu.memory_space<vmem>>
        %dma_start3A_47 = arith.constant 0 : i32
        %dma_start3A_48 = arith.constant 0 : i32
        %dma_start3A_49 = tpu.memref_slice %arg10[%get3A_39, %dma_start3A_47, %dma_start3A_48] : memref<64x768x768xf32, #tpu.memory_space<any>> -> memref<1x768x768xf32, #tpu.memory_space<any>>
        %dma_start3A_50 = tpu.memref_squeeze %dma_start3A_49 : memref<1x768x768xf32, #tpu.memory_space<any>> -> memref<768x768xf32, #tpu.memory_space<any>>
        tpu.enqueue_dma source(%dma_start3A_50 : memref<768x768xf32, #tpu.memory_space<any>>) target(%dma_start3A_46 : memref<768x768xf32, #tpu.memory_space<vmem>>) target_semaphore(%dma_start3A_42 : memref<!tpu.dma_semaphore, #tpu.memory_space<semaphore_mem>>)
        %dma_start3A_51 = tpu.memref_slice %arg18[%rem3A_41] : memref<4x!tpu.dma_semaphore, #tpu.memory_space<semaphore_mem>> -> memref<1x!tpu.dma_semaphore, #tpu.memory_space<semaphore_mem>>
        %dma_start3A_52 = tpu.memref_squeeze %dma_start3A_51 : memref<1x!tpu.dma_semaphore, #tpu.memory_space<semaphore_mem>> -> memref<!tpu.dma_semaphore, #tpu.memory_space<semaphore_mem>>
        %dma_start3A_53 = arith.constant 0 : i32
        %dma_start3A_54 = arith.constant 0 : i32
        %dma_start3A_55 = tpu.memref_slice %arg16[%rem3A_41, %dma_start3A_53, %dma_start3A_54] : memref<4x768x768xf32, #tpu.memory_space<vmem>> -> memref<1x768x768xf32, #tpu.memory_space<vmem>>
        %dma_start3A_56 = tpu.memref_squeeze %dma_start3A_55 : memref<1x768x768xf32, #tpu.memory_space<vmem>> -> memref<768x768xf32, #tpu.memory_space<vmem>>
        %dma_start3A_57 = arith.constant 0 : i32
        %dma_start3A_58 = arith.constant 0 : i32
        %dma_start3A_59 = tpu.memref_slice %arg12[%get3A_39, %dma_start3A_57, %dma_start3A_58] : memref<64x768x768xf32, #tpu.memory_space<any>> -> memref<1x768x768xf32, #tpu.memory_space<any>>
        %dma_start3A_60 = tpu.memref_squeeze %dma_start3A_59 : memref<1x768x768xf32, #tpu.memory_space<any>> -> memref<768x768xf32, #tpu.memory_space<any>>
        tpu.enqueue_dma source(%dma_start3A_60 : memref<768x768xf32, #tpu.memory_space<any>>) target(%dma_start3A_56 : memref<768x768xf32, #tpu.memory_space<vmem>>) target_semaphore(%dma_start3A_52 : memref<!tpu.dma_semaphore, #tpu.memory_space<semaphore_mem>>)
      } else {
      }
      %dma_wait3A = tpu.memref_slice %arg17[%rem3A_7] : memref<4x!tpu.dma_semaphore, #tpu.memory_space<semaphore_mem>> -> memref<1x!tpu.dma_semaphore, #tpu.memory_space<semaphore_mem>>
      %dma_wait3A_28 = tpu.memref_squeeze %dma_wait3A : memref<1x!tpu.dma_semaphore, #tpu.memory_space<semaphore_mem>> -> memref<!tpu.dma_semaphore, #tpu.memory_space<semaphore_mem>>
      %dma_wait3A_29 = arith.constant 0 : i32
      %dma_wait3A_30 = arith.constant 0 : i32
      %dma_wait3A_31 = tpu.memref_slice %arg15[%rem3A_7, %dma_wait3A_29, %dma_wait3A_30] : memref<4x768x768xf32, #tpu.memory_space<vmem>> -> memref<1x768x768xf32, #tpu.memory_space<vmem>>
      %dma_wait3A_32 = tpu.memref_squeeze %dma_wait3A_31 : memref<1x768x768xf32, #tpu.memory_space<vmem>> -> memref<768x768xf32, #tpu.memory_space<vmem>>
      %dma_wait3A_33 = arith.constant 0 : i32
      %dma_wait3A_34 = arith.constant 0 : i32
      %dma_wait3A_35 = tpu.memref_slice %arg10[%get3A_4, %dma_wait3A_33, %dma_wait3A_34] : memref<64x768x768xf32, #tpu.memory_space<any>> -> memref<1x768x768xf32, #tpu.memory_space<any>>
      %dma_wait3A_36 = tpu.memref_squeeze %dma_wait3A_35 : memref<1x768x768xf32, #tpu.memory_space<any>> -> memref<768x768xf32, #tpu.memory_space<any>>
      tpu.wait_dma2 semaphore(%dma_wait3A_28 : memref<!tpu.dma_semaphore, #tpu.memory_space<semaphore_mem>>) src(%dma_wait3A_36 : memref<768x768xf32, #tpu.memory_space<any>>) dst(%dma_wait3A_32 : memref<768x768xf32, #tpu.memory_space<vmem>>)
    } else {
    }
    %lt3A = arith.cmpi slt, %get3A_0, %get3A_2 : i32
    %convert_element_type3A_17 = arith.extui %lt3A : i1 to i32
    %cond3A_18 = arith.constant 0 : i32
    %cond3A_19 = arith.cmpi ne, %convert_element_type3A_17, %cond3A_18 : i32
    scf.if %cond3A_19 {
      %get3A_20 = arith.constant 0 : index
      %get3A_21 = arith.constant 0 : index
      %get3A_22 = vector.load %arg9[%get3A_20, %get3A_21] : memref<128x768xf32, #tpu.memory_space<vmem>>, vector<128x768xf32>
      %get3A_23 = arith.index_cast %rem3A_7 : i32 to index
      %get3A_24 = arith.constant 0 : index
      %get3A_25 = arith.constant 0 : index
      %get3A_26 = vector.load %arg15[%get3A_23, %get3A_24, %get3A_25] : memref<4x768x768xf32, #tpu.memory_space<vmem>>, vector<1x768x768xf32>
      %get3A_27 = vector.shape_cast %get3A_26 : vector<1x768x768xf32> to vector<768x768xf32>
      %dot_general3A = arith.constant dense<0.000000e+00> : vector<128x768xf32>
      %dot_general3A_28 = tpu.matmul %get3A_22, %get3A_27, %dot_general3A {dimension_numbers = #tpu.dot_dimension_numbers<[1], [1], [0], [0], [0, 0, 1, 0], [], []>, transpose_lhs_hint = false} : vector<128x768xf32>, vector<768x768xf32>, vector<128x768xf32> -> vector<128x768xf32>
      %get3A_29 = arith.constant 0 : index
      %get3A_30 = arith.constant 0 : index
      %get3A_31 = arith.constant 0 : index
      %get3A_32 = vector.load %arg11[%get3A_29, %get3A_30, %get3A_31] : memref<1x1x768xf32, #tpu.memory_space<vmem>>, vector<1x1x768xf32>
      %get3A_33 = vector.shape_cast %get3A_32 : vector<1x1x768xf32> to vector<1x768xf32>
      %add3A = vector.broadcast %get3A_33 : vector<1x768xf32> to vector<128x768xf32>
      %add3A_34 = arith.addf %dot_general3A_28, %add3A : vector<128x768xf32>
      %max3A = arith.constant 0.000000e+00 : f32
      %max3A_35 = vector.broadcast %max3A : f32 to vector<128x768xf32>
      %max3A_36 = arith.maximumf %add3A_34, %max3A_35 : vector<128x768xf32>
      %get3A_37 = arith.index_cast %arg0 : i32 to index
      %get3A_38 = memref.load %arg5[%get3A_37] : memref<79xi32, #tpu.memory_space<smem>>
      %eq3A_39 = arith.constant 1 : i32
      %eq3A_40 = arith.cmpi eq, %get3A_38, %eq3A_39 : i32
      %convert_element_type3A_41 = arith.extui %eq3A_40 : i1 to i32
      %cond3A_42 = arith.constant 0 : i32
      %cond3A_43 = arith.cmpi ne, %convert_element_type3A_41, %cond3A_42 : i32
      scf.if %cond3A_43 {
        %dma_wait3A = tpu.memref_slice %arg18[%rem3A_7] : memref<4x!tpu.dma_semaphore, #tpu.memory_space<semaphore_mem>> -> memref<1x!tpu.dma_semaphore, #tpu.memory_space<semaphore_mem>>
        %dma_wait3A_67 = tpu.memref_squeeze %dma_wait3A : memref<1x!tpu.dma_semaphore, #tpu.memory_space<semaphore_mem>> -> memref<!tpu.dma_semaphore, #tpu.memory_space<semaphore_mem>>
        %dma_wait3A_68 = arith.constant 0 : i32
        %dma_wait3A_69 = arith.constant 0 : i32
        %dma_wait3A_70 = tpu.memref_slice %arg16[%rem3A_7, %dma_wait3A_68, %dma_wait3A_69] : memref<4x768x768xf32, #tpu.memory_space<vmem>> -> memref<1x768x768xf32, #tpu.memory_space<vmem>>
        %dma_wait3A_71 = tpu.memref_squeeze %dma_wait3A_70 : memref<1x768x768xf32, #tpu.memory_space<vmem>> -> memref<768x768xf32, #tpu.memory_space<vmem>>
        %dma_wait3A_72 = arith.constant 0 : i32
        %dma_wait3A_73 = arith.constant 0 : i32
        %dma_wait3A_74 = tpu.memref_slice %arg12[%get3A_4, %dma_wait3A_72, %dma_wait3A_73] : memref<64x768x768xf32, #tpu.memory_space<any>> -> memref<1x768x768xf32, #tpu.memory_space<any>>
        %dma_wait3A_75 = tpu.memref_squeeze %dma_wait3A_74 : memref<1x768x768xf32, #tpu.memory_space<any>> -> memref<768x768xf32, #tpu.memory_space<any>>
        tpu.wait_dma2 semaphore(%dma_wait3A_67 : memref<!tpu.dma_semaphore, #tpu.memory_space<semaphore_mem>>) src(%dma_wait3A_75 : memref<768x768xf32, #tpu.memory_space<any>>) dst(%dma_wait3A_71 : memref<768x768xf32, #tpu.memory_space<vmem>>)
      } else {
      }
      %get3A_44 = arith.index_cast %rem3A_7 : i32 to index
      %get3A_45 = arith.constant 0 : index
      %get3A_46 = arith.constant 0 : index
      %get3A_47 = vector.load %arg16[%get3A_44, %get3A_45, %get3A_46] : memref<4x768x768xf32, #tpu.memory_space<vmem>>, vector<1x768x768xf32>
      %get3A_48 = vector.shape_cast %get3A_47 : vector<1x768x768xf32> to vector<768x768xf32>
      %dot_general3A_49 = arith.constant dense<0.000000e+00> : vector<128x768xf32>
      %dot_general3A_50 = tpu.matmul %max3A_36, %get3A_48, %dot_general3A_49 {dimension_numbers = #tpu.dot_dimension_numbers<[1], [1], [0], [0], [0, 0, 1, 0], [], []>, transpose_lhs_hint = false} : vector<128x768xf32>, vector<768x768xf32>, vector<128x768xf32> -> vector<128x768xf32>
      %get3A_51 = arith.constant 0 : index
      %get3A_52 = arith.constant 0 : index
      %get3A_53 = arith.constant 0 : index
      %get3A_54 = vector.load %arg13[%get3A_51, %get3A_52, %get3A_53] : memref<1x1x768xf32, #tpu.memory_space<vmem>>, vector<1x1x768xf32>
      %get3A_55 = vector.shape_cast %get3A_54 : vector<1x1x768xf32> to vector<1x768xf32>
      %add3A_56 = vector.broadcast %get3A_55 : vector<1x768xf32> to vector<128x768xf32>
      %add3A_57 = arith.addf %dot_general3A_50, %add3A_56 : vector<128x768xf32>
      %iota3A = tpu.iota {dimensions = array<i32: 0>} : vector<128x1xi32>
      %ge3A = vector.broadcast %get3A_0 : i32 to vector<128x1xi32>
      %ge3A_58 = arith.cmpi sge, %iota3A, %ge3A : vector<128x1xi32>
      %lt3A_59 = vector.broadcast %get3A_2 : i32 to vector<128x1xi32>
      %lt3A_60 = arith.cmpi slt, %iota3A, %lt3A_59 : vector<128x1xi32>
      %and3A = arith.andi %ge3A_58, %lt3A_60 : vector<128x1xi1>
      %get3A_61 = arith.constant 0 : index
      %get3A_62 = arith.constant 0 : index
      %get3A_63 = vector.load %arg14[%get3A_61, %get3A_62] : memref<128x768xf32, #tpu.memory_space<vmem>>, vector<128x768xf32>
      %broadcast_in_dim3A = vector.shape_cast %and3A : vector<128x1xi1> to vector<128x1xi1>
      %broadcast_in_dim3A_64 = vector.broadcast %broadcast_in_dim3A : vector<128x1xi1> to vector<128x768xi1>
      %select_n3A = arith.select %broadcast_in_dim3A_64, %add3A_57, %get3A_63 : vector<128x768xi1>, vector<128x768xf32>
      %swap3A = arith.constant 0 : index
      %swap3A_65 = arith.constant 0 : index
      %swap3A_66 = vector.load %arg14[%swap3A, %swap3A_65] : memref<128x768xf32, #tpu.memory_space<vmem>>, vector<128x768xf32>
      tpu.vector_store %arg14[%swap3A, %swap3A_65], %select_n3A {strides = array<i32>} : memref<128x768xf32, #tpu.memory_space<vmem>>, vector<128x768xf32>,
    } else {
    }
    return
  }
  func.func @transform_0(%arg0: i32, %arg1: memref<79xi32, #tpu.memory_space<smem>>, %arg2: memref<79xi32, #tpu.memory_space<smem>>, %arg3: memref<79xi32, #tpu.memory_space<smem>>, %arg4: memref<79xi32, #tpu.memory_space<smem>>, %arg5: memref<79xi32, #tpu.memory_space<smem>>, %arg6: memref<79xi32, #tpu.memory_space<smem>>, %arg7: memref<64xi32, #tpu.memory_space<smem>>, %arg8: memref<1xi32, #tpu.memory_space<smem>>) -> (i32, i32) {
    %get3A = arith.index_cast %arg0 : i32 to index
    %get3A_0 = memref.load %arg1[%get3A] : memref<79xi32, #tpu.memory_space<smem>>
    %c0_i32 = arith.constant 0 : i32
    %c0_i32_1 = arith.constant 0 : i32
    return %get3A_0, %c0_i32 : i32, i32
  }
  func.func @transform_2(%arg0: i32, %arg1: memref<79xi32, #tpu.memory_space<smem>>, %arg2: memref<79xi32, #tpu.memory_space<smem>>, %arg3: memref<79xi32, #tpu.memory_space<smem>>, %arg4: memref<79xi32, #tpu.memory_space<smem>>, %arg5: memref<79xi32, #tpu.memory_space<smem>>, %arg6: memref<79xi32, #tpu.memory_space<smem>>, %arg7: memref<64xi32, #tpu.memory_space<smem>>, %arg8: memref<1xi32, #tpu.memory_space<smem>>) -> (i32, i32, i32) {
    %get3A = arith.index_cast %arg0 : i32 to index
    %get3A_0 = memref.load %arg2[%get3A] : memref<79xi32, #tpu.memory_space<smem>>
    %c0_i32 = arith.constant 0 : i32
    %c0_i32_1 = arith.constant 0 : i32
    %c0_i32_2 = arith.constant 0 : i32
    return %get3A_0, %c0_i32, %c0_i32_1 : i32, i32, i32
  }
  func.func @transform_4(%arg0: i32, %arg1: memref<79xi32, #tpu.memory_space<smem>>, %arg2: memref<79xi32, #tpu.memory_space<smem>>, %arg3: memref<79xi32, #tpu.memory_space<smem>>, %arg4: memref<79xi32, #tpu.memory_space<smem>>, %arg5: memref<79xi32, #tpu.memory_space<smem>>, %arg6: memref<79xi32, #tpu.memory_space<smem>>, %arg7: memref<64xi32, #tpu.memory_space<smem>>, %arg8: memref<1xi32, #tpu.memory_space<smem>>) -> (i32, i32, i32) {
    %get3A = arith.index_cast %arg0 : i32 to index
    %get3A_0 = memref.load %arg2[%get3A] : memref<79xi32, #tpu.memory_space<smem>>
    %c0_i32 = arith.constant 0 : i32
    %c0_i32_1 = arith.constant 0 : i32
    %c0_i32_2 = arith.constant 0 : i32
    return %get3A_0, %c0_i32, %c0_i32_1 : i32, i32, i32
  }
  func.func @transform_5(%arg0: i32, %arg1: memref<79xi32, #tpu.memory_space<smem>>, %arg2: memref<79xi32, #tpu.memory_space<smem>>, %arg3: memref<79xi32, #tpu.memory_space<smem>>, %arg4: memref<79xi32, #tpu.memory_space<smem>>, %arg5: memref<79xi32, #tpu.memory_space<smem>>, %arg6: memref<79xi32, #tpu.memory_space<smem>>, %arg7: memref<64xi32, #tpu.memory_space<smem>>, %arg8: memref<1xi32, #tpu.memory_space<smem>>) -> (i32, i32) {
    %get3A = arith.index_cast %arg0 : i32 to index
    %get3A_0 = memref.load %arg1[%get3A] : memref<79xi32, #tpu.memory_space<smem>>
    %c0_i32 = arith.constant 0 : i32
    %c0_i32_1 = arith.constant 0 : i32
    return %get3A_0, %c0_i32 : i32, i32
  }
}

</mosaic_0001>

<sc_bundles>
// kernel: kernel.5.cloned.1.call-start
scs
__scs_entry_jumppad:
0x0: {  	(pc) =	sbr.rel $0x88, $3  }
0x1: {  	(tag) =	ssettag $0x0;
	lr =	simm.s32 $0x1  }
0x2: {  	[smem:$0x3F9A] =	sst lr;
	_ =	strace $0xD0000000  }
0x3: {  	_ = 	snop  }
0x4: {  	_ = 	snop  }
0x5: {  	_ = 	snop  }
0x6: {  	_ = 	snop  }
0x7: {  	_ = 	snop  }
__scs_overlays_trampoline_lowered:
0x8: {  	[smem:$0x3FA9] =	sst s0  }
0x9: {  	[smem:$0x3FAA] =	sst s1  }
0xa: {  	[smem:$0x3FAB] =	sst s2  }
0xb: {  	[smem:$0x3FAC] =	sst s3  }
0xc: {  	[smem:$0x3FAD] =	sst s4  }
0xd: {  	[smem:$0x3FAE] =	sst s5  }
0xe: {  	[smem:$0x3FAF] =	sst s6  }
0xf: {  	[smem:$0x3FB0] =	sst s7  }
0x10: {  	[smem:$0x3FB1] =	sst s8  }
0x11: {  	[smem:$0x3FB2] =	sst s9;
	s0 =	simm.s32 @!p0 $0x0  }
0x12: {  	s1 =	sld [smem:$0x3F98];
	s0 =	simm.s32 @p0 $0x1  }
0x13: {  	[smem:$0x3FB3] =	sst s0;
	s0 =	simm.s32 @!p1 $0x0  }
0x14: {  	s2 =	sld [smem:$0x3F97];
	s0 =	simm.s32 @p1 $0x1  }
0x15: {  	[smem:$0x3FB4] =	sst s0;
	s0 =	simm.s32 @!p2 $0x0  }
0x16: {  	s3 =	sld [smem:$0x3FDB];
	s0 =	simm.s32 @p2 $0x1  }
0x17: {  	s4 =	simm.s32 $0x1BF5;
	[smem:$0x3FB6] =	sst s0  }
0x18: {  	s0 =	sld [smem:$0x3F99];
	_ =	swait.ge [sflag:s4], $0x0  }
0x19: {  	s7 =	sld [smem:$0x3F9A]  }
0x1a: {  	s8 =	sadd.s32 $0xFFFFE003, lr  }
0x1b: {  	s9 =	sadd.s32 $0xFFFFFEF7, lr;
	s5 =	simm.s32 $0xFFFFFFFF;
	p2 =	slt.u32 s8, $0xFFFFF086  }
0x1c: {  	p1 =	slt.u32 s9, $0xF7A;
	s5 =	simm.s32 @!p2 $0x0  }
0x1d: {  	s5 =	simm.s32 @p1 $0x1;
	p0 =	seq.s32 s7, s2  }
0x1e: {  	s7 =	smul.u32 @!p0 $0xF7A, s2;
	p2 =	seq.s32 @!p0 s5, $0x0  }
0x1f: {  	s9 =	smul.u32 $0xF7A, s1;
	s8 =	simm.s32 @!p0 $0x1BF5;
	p2 =	por !p2, p0  }
0x20: {  	[sflag:s8] =	ssyncset.s32 @!p0 $0xFFFFF086;
	s6 =	sadd.s32 @!p0 s3, s7;
	s7 =	simm.s32 @!p0 $0x108  }
0x21: {  	s3 =	sadd.s32 s3, s9;
	s6 =	sadd.s32 @!p0 $0x88, s6;
	s7 =	simm.s32 @p2 $0x1082  }
0x22: {  	[simem:s7], [sflag:s8] =	dma.local @!p0 [hbm:s6], $0xF7A  }
0x23: {  	s9 =	sor.u32 $0xD0000000, s2;
	s6 =	simm.s32 $0x108;
	_ =	swait.ge @!p0 [sflag:s8], $0x0  }
0x24: {  	s3 =	sadd.s32 $0x88, s3;
	s6 =	simm.s32 @!p1 $0x1082;
	[sflag:s4] =	ssyncset.s32 $0xFFFFF086  }
0x25: {  	[simem:s6], [sflag:s4] =	dma.local [hbm:s3], $0xF7A  }
0x26: {  	[smem:$0x3F9A] =	sst s1;
	(tag) =	ssettag s2;
	_ =	strace s9  }
0x27: {  	s1 =	sld [smem:$0x3FAA]  }
0x28: {  	s2 =	sld [smem:$0x3FAB]  }
0x29: {  	s4 =	sld [smem:$0x3FAD]  }
0x2a: {  	p0 =	seq.s32 s5, $0x0;
	s5 =	sld [smem:$0x3FAE]  }
0x2b: {  	s6 =	sld [smem:$0x3FAF]  }
0x2c: {  	s7 =	sld [smem:$0x3FB0]  }
0x2d: {  	s3 =	simm.s32 $0x108;
	s8 =	sld [smem:$0x3FB1]  }
0x2e: {  	s3 =	simm.s32 @!p0 $0x1082;
	s9 =	sld [smem:$0x3FB2]  }
0x2f: {  	lr =	sadd.s32 s0, s3;
	s0 =	sld [smem:$0x3FA9]  }
0x30: {  	s3 =	sld [smem:$0x3FAC]  }
0x31: {  	[smem:$0x3FB5] =	sst s10  }
0x32: {  	s10 =	sld [smem:$0x3FB3];
	_ =	sdelay $0x3  }
0x33: {  	p0 =	seq.s32 s10, $0x1;
	s10 =	sld [smem:$0x3FB5];
	_ =	sdelay $0x3  }
0x34: {  	[smem:$0x3FB5] =	sst s10  }
0x35: {  	s10 =	sld [smem:$0x3FB4];
	_ =	sdelay $0x3  }
0x36: {  	p1 =	seq.s32 s10, $0x1;
	s10 =	sld [smem:$0x3FB5];
	_ =	sdelay $0x3  }
0x37: {  	[smem:$0x3FB5] =	sst s10  }
0x38: {  	s10 =	sld [smem:$0x3FB6]  }
0x39: {  	_ = 	snop;
	(pc) =	sbr.ind lr, $3  }
0x3a: {  	_ = 	snop  }
0x3b: {  	_ = 	snop  }
0x3c: {  	p2 =	seq.s32 s10, $0x1;
	s10 =	sld [smem:$0x3FB5]  }
0x3d: {  	_ =	shalt  }
0x3e: {  	_ =	shalt  }
0x3f: {  	_ =	shalt  }
0x40: {  	_ =	shalt  }
0x41: {  	_ =	shalt  }
0x42: {  	_ =	shalt  }
0x43: {  	_ =	shalt  }
0x44: {  	_ =	shalt  }
0x45: {  	_ =	shalt  }
0x46: {  	_ =	shalt  }
0x47: {  	_ =	shalt  }
0x48: {  	_ =	shalt  }
0x49: {  	_ =	shalt  }
0x4a: {  	_ =	shalt  }
0x4b: {  	_ =	shalt  }
0x4c: {  	_ =	shalt  }
0x4d: {  	_ =	shalt  }
0x4e: {  	_ =	shalt  }
0x4f: {  	_ =	shalt  }
0x50: {  	_ =	shalt  }
0x51: {  	_ =	shalt  }
0x52: {  	_ =	shalt  }
0x53: {  	_ =	shalt  }
0x54: {  	_ =	shalt  }
0x55: {  	_ =	shalt  }
0x56: {  	_ =	shalt  }
0x57: {  	_ =	shalt  }
0x58: {  	_ =	shalt  }
0x59: {  	_ =	shalt  }
0x5a: {  	_ =	shalt  }
0x5b: {  	_ =	shalt  }
0x5c: {  	_ =	shalt  }
0x5d: {  	_ =	shalt  }
0x5e: {  	_ =	shalt  }
0x5f: {  	_ =	shalt  }
0x60: {  	_ =	shalt  }
0x61: {  	_ =	shalt  }
0x62: {  	_ =	shalt  }
0x63: {  	_ =	shalt  }
0x64: {  	_ =	shalt  }
0x65: {  	_ =	shalt  }
0x66: {  	_ =	shalt  }
0x67: {  	_ =	shalt  }
0x68: {  	_ =	shalt  }
0x69: {  	_ =	shalt  }
0x6a: {  	_ =	shalt  }
0x6b: {  	_ =	shalt  }
0x6c: {  	_ =	shalt  }
0x6d: {  	_ =	shalt  }
0x6e: {  	_ =	shalt  }
0x6f: {  	_ =	shalt  }
0x70: {  	_ =	shalt  }
0x71: {  	_ =	shalt  }
0x72: {  	_ =	shalt  }
0x73: {  	_ =	shalt  }
0x74: {  	_ =	shalt  }
0x75: {  	_ =	shalt  }
0x76: {  	_ =	shalt  }
0x77: {  	_ =	shalt  }
0x78: {  	_ =	shalt  }
0x79: {  	_ =	shalt  }
0x7a: {  	_ =	shalt  }
0x7b: {  	_ =	shalt  }
0x7c: {  	_ =	shalt  }
0x7d: {  	_ =	shalt  }
0x7e: {  	_ =	shalt  }
0x7f: {  	_ =	shalt  }
0x80: {  	_ =	shalt  }
0x81: {  	_ =	shalt  }
0x82: {  	_ =	shalt  }
0x83: {  	_ =	shalt  }
0x84: {  	_ =	shalt  }
0x85: {  	_ =	shalt  }
0x86: {  	_ =	shalt  }
0x87: {  	_ =	shalt  }
.Lfunc_end0:
.L_simem_size_0:
called_computation.1_lowered:
.L_overlay_start_0:
0x88: {  	s2 =	sld [smem:$0x3FD9]  }
0x89: {  	s3 =	sld [smem:$0x3FFE];
	_ =	sdelay $0x1  }
0x8a: {  	s1 =	srdreg.scid  }
0x8b: {  	s0 =	sand.u32 $0x1, s1  }
0x8c: {  	s17 =	sshll.u32 s0, $0xA;
	s2 =	sadd.s32 s3, s2  }
0x8d: {  	s2 =	sadd.s32 s2, s17  }
0x8e: {  	[smem:$0x3FC1] =	sst s2  }
0x8f: {  	_ = 	snop  }
0x90: {  	s4 =	sld [smem:$0x3FC9]  }
0x91: {  	s18 =	sld [smem:$0x3FD0];
	(tm) =	ssettm $0x1  }
0x92: {  	s19 =	sld [smem:$0x3FFB];
	_ =	sdelay $0x3  }
0x93: {  	_ =	strace s19  }
0x94: {  	s2 =	sld [smem:$0x3FFC];
	_ =	sdelay $0x3  }
0x95: {  	_ =	strace s2  }
0x96: {  	s2 =	sld [smem:$0x3FFD];
	_ =	sdelay $0x3  }
0x97: {  	_ =	strace s2  }
0x98: {  	_ =	strace $0x8FFFFFFF  }
0x99: {  	s20 =	sld [smem:$0x3FDB];
	_ =	sdelay $0x1  }
0x9a: {  	s5 =	simm.s32 $_scs_section_size  }
0x9b: {  	s6 =	simm.s32 $_size__tile_overlayer_lowered;
	s7 =	simm.s32 $_tile_overlayer_lowered  }
0x9c: {  	s8 =	simm.s32 $0x1BFF;
	s21 =	sshll.u32 s7, $0x1;
	s5 =	sadd.s32 s5, s20  }
0x9d: {  	s22 =	simm.s32 $0x0;
	s6 =	sshll.u32 s6, $0x1;
	s7 =	sadd.s32 s21, s5  }
0x9e: {  	[timem:s22], [sflag:s8] =	dma.local [hbm:s7], s6  }
0x9f: {  	_ =	swait.ge [sflag:s8], s6  }
0xa0: {  	s6 =	ssub.s32 $0x0, s6;
	[sflag:s8] =	ssyncset.done $0x0  }
0xa1: {  	[sflag:s8] =	ssyncadd.s32 s6;
	_ =	sdelay $0x1  }
0xa2: {  	s23 =	simm.s32 $0x1B8B  }
0xa3: {  	_ =	swait.ge [sflag:s23], $0x1  }
0xa4: {  	[sflag:s23] =	ssyncset.done $0x0  }
0xa5: {  	[sflag:s23] =	ssyncadd.s32 $0xFFFFFFFF  }
0xa6: {  	s6 =	sld [smem:$0x0]  }
0xa7: {  	s7 =	sand.u32 $0xFFFFFFFE, s1  }
0xa8: {  	p0 =	sne.s32 s1, s7  }
0xa9: {  	s7 =	sshll.u32 @p0 s7, $0xE  }
0xaa: {  	s7 =	sadd.s32 @p0 $0x11B8D, s7;
	s8 =	sshll.u32 @p0 s6, $0x11  }
0xab: {  	s7 =	sor.u32 @p0 s8, s7  }
0xac: {  	[sflag:s7] =	ssyncadd.remote.s32 @p0 $0x1;
	_ =	sdelay $0x1  }
0xad: {  	s7 =	simm.s32 @p0 $0x1B8D  }
0xae: {  	_ =	swait.eq @p0 [sflag:s7], $0x1  }
0xaf: {  	[sflag:s7] =	ssyncadd.s32 @p0 $0xFFFFFFFF  }
0xb0: {  	s8 =	sshll.u32 @!p0 s1, $0xE  }
0xb1: {  	s8 =	sor.u32 @!p0 $0x4000, s8;
	s7 =	simm.s32 @!p0 $0x1B8D  }
0xb2: {  	s6 =	sshll.u32 @!p0 s6, $0x11;
	s8 =	sadd.s32 @!p0 $0x11B8D, s8;
	_ =	swait.eq @!p0 [sflag:s7], $0x1  }
0xb3: {  	s6 =	sor.u32 @!p0 s6, s8;
	[sflag:s7] =	ssyncadd.s32 @!p0 $0xFFFFFFFF  }
0xb4: {  	s25 =	simm.s32 $0x1B8E;
	s24 =	sld [smem:$0x3FFE];
	[sflag:s6] =	ssyncadd.remote.s32 @!p0 $0x1  }
0xb5: {  	s26 =	simm.s32 $execute0_lowered;
	[smem:$0x3FD2] =	sst s25  }
0xb6: {  	s7 =	sshll.u32 s26, $0x1;
	_ =	strace $0x80000049;
	[dreg:$0x1] =	wrdreg $0xFFFFFFFF  }
0xb7: {  	s28 =	simm.s32 $_size_execute0_lowered;
	s5 =	sadd.s32 s5, s7;
	[dreg:$0x0] =	wrdreg $0x0  }
0xb8: {  	s7 =	sshll.u32 s28, $0x1;
	[dreg:$0x2] =	wrdreg s5  }
0xb9: {  	[dreg:$0x3] =	wrdreg s7  }
0xba: {  	[dreg:$0x4] =	wrdreg $0xC0  }
0xbb: {  	_ =	task [dreg:s22], $0x5FFFF  }
0xbc: {  	[dreg:$0x1] =	wrdreg $0xFFFFFFFF  }
0xbd: {  	[dreg:$0x0] =	wrdreg $0x60  }
0xbe: {  	[dreg:$0x2] =	wrdreg s4  }
0xbf: {  	[dreg:$0x3] =	wrdreg s24  }
0xc0: {  	[dreg:$0x4] =	wrdreg s18  }
0xc1: {  	[dreg:$0x5] =	wrdreg $0xA  }
0xc2: {  	_ =	task.clear_ibuf [dreg:s22], $0x6FFFF;
	_ =	strace $0x90000049  }
0xc3: {  	s29 =	simm.s32 $0xA;
	_ =	strace $0x8000004B  }
0xc4: {  	_ =	swait.ge [sflag:s29], $0x1  }
0xc5: {  	[sflag:s29] =	ssyncadd.s32 $0xFFFFFFFF  }
0xc6: {  	_ =	strace $0x9000004B  }
0xc7: {  	_ =	sfence  }
0xc8: {  	s30 =	sld [smem:$0x0];
	_ =	sdelay $0x2  }
0xc9: {  	s31 =	sshll.u32 s1, $0xD;
	s1 =	sshrl.u32 s1, $0x2  }
0xca: {  	s4 =	sand.u32 $0x4000, s31;
	s1 =	sadd.s32 s1, s30  }
0xcb: {  	s0 =	sor.u32 s4, s0;
	s1 =	sshll.u32 s1, $0x11  }
0xcc: {  	s0 =	sor.u32 s1, s0  }
0xcd: {  	s0 =	sadd.s32 $0x8F2B, s0  }
0xce: {  	[sflag:s0] =	ssyncadd.remote.s32 $0x1  }
0xcf: {  	_ =	sfence.sel $0xFFFF  }
0xd0: {  	[dreg:$0x0] =	wrdreg $0xFFFFFFFF;
	(pc) =	sbr.abs _section_cstart, $3  }
0xd1: {  	[dreg:$0x1] =	wrdreg $0xFFFFFFFF  }
0xd2: {  	_ =	task.clear_ibuf [dreg:s22], $0x2FFFF;
	_ =	strace $0x9FFFFFFF  }
0xd3: {  	(tm) =	ssettm $0x7FFFFFFF  }
tec
execute0_lowered:
.L_overlay_start_1:
0x0: {  	(tag) =	ssettag $0x1  }
0x1: {  	s1 =	rddreg [dreg:$0x0]  }
0x2: {  	s0 =	rddreg [dreg:$0x1]  }
0x3: {  	s5 =	rddreg [dreg:$0x2]  }
0x4: {  	s3 =	srdreg.scid;
	s2 =	stileid.u32;
	s8 =	simm.s32 $0x80  }
0x5: {  	s26 =	simm.s32 $0x880;
	s9 =	simm.s32 $0x1080;
	s10 =	simm.s32 $0x1880  }
0x6: {  	s11 =	simm.s32 $0x2080;
	s12 =	simm.s32 $0x2880;
	s13 =	simm.s32 $0x3080  }
0x7: {  	s14 =	simm.s32 $0x3880;
	s15 =	simm.s32 $0x4080;
	s16 =	simm.s32 $0x4880  }
0x8: {  	s17 =	simm.s32 $0x5080;
	s18 =	simm.s32 $0x5880;
	s19 =	simm.s32 $0x6080  }
0x9: {  	s20 =	simm.s32 $0x6880;
	s21 =	simm.s32 $0x7080;
	s22 =	simm.s32 $0x7880  }
0xa: {  	s23 =	simm.s32 $0x8080;
	s28 =	simm.s32 $0xA080;
	s29 =	simm.s32 $0xA880  }
0xb: {  	s30 =	simm.s32 $0xB080;
	s31 =	simm.s32 $0xB880;
	s4 =	sand.u32 $0x1, s3  }
0xc: {  	s3 =	simm.s32 $0x0;
	s6 =	sshll.u32 s2, $0x4;
	s7 =	sshll.u32 s4, $0x3  }
0xd: {  	[smem:$0x7FF] =	sst s3;
	s4 =	ssub.s32 $0x2, s4;
	s6 =	sor.u32 s7, s6  }
0xe: {  	s24 =	sshrl.u32 s4, $0x1;
	_ =	strace $0x8000004A;
	[dreg:$0x6] =	wrdreg s26  }
0xf: {  	s26 =	simm.s32 $0x9880;
	s0 =	sadd.s32 s6, s0;
	s6 =	smul.u32 $0x300, s6  }
0x10: {  	s7 =	ssub.s32 s4, s24;
	s4 =	sadd.s32 $0x100, s1;
	s0 =	sadd.s32 $0x200, s0  }
0x11: {  	v2 =	vlaneseq.u32;
	s24 =	simm.s32 $0x8880;
	[dreg:$0x4] =	wrdreg s0;
	s25 =	sadd.s32 s5, s6  }
0x12: {  	vm0 =	vmmov $0xffff;
	v1 =	vshrl.u32 v2, $0x3;
	s5 =	sadd.s32 $0x200, s1;
	s6 =	smax.u32 s7, $0x1;
	s7 =	simm.s32 $0x2  }
0x13: {  	v0 =	vand.u32 $0x7, v2;
	v2 =	vor.u32 $0x8, v2;
	v1 =	vmul.u32 $0x8, v1;
	s0 =	simm.s32 $0x1;
	[dreg:$0x5] =	wrdreg s25;
	s25 =	simm.s32 $0x9080  }
.LBB2_1:
0x14: {  	s2 =	rddreg [dreg:$0x4]  }
0x15: {  	[tilespmem:s3], [sflag:$0x2] =	stream.linear.gather [hbm4b:s2+s3], $0x40, $0x38;
	[tilespmem:$0xC080] =	vst v63  }
0x16: {  	_ =	swait.ge [sflag:s7], $0x40  }
0x17: {  	[sflag:s7] =	ssyncset.done $0x0  }
0x18: {  	[sflag:s7] =	ssyncadd.s32 $0xFFFFFFC0  }
0x19: {  	v3 =	vld [tilespmem:$0x0];
	_ =	sdelay $0x4  }
0x1a: {  	v4 =	vshrl.u32 v3, $0x3  }
0x1b: {  	v4 =	vmul.u32 $0x30, v4  }
0x1c: {  	v3 =	vand.u32 $0x7, v3  }
0x1d: {  	v3 =	vor.u32 v3, v4  }
0x1e: {  	v4 =	vperm.xlane v3, v0;
	_ =	sdelay $0x1  }
0x1f: {  	v4 =	vadd.s32 v1, v4;
	_ =	sdelay $0x3  }
0x20: {  	v3 =	vperm.xlane v3, v2  }
0x21: {  	[tilespmem:s8], [sflag:$0x1] =	stream.indirect_vreg.gather [hbm4b:s1+s3], $0x80, v4, vm0, $0xb8;
	[tilespmem:$0xC080] =	vst v63  }
0x22: {  	s2 =	rddreg [dreg:$0x6];
	v3 =	vadd.s32 v1, v3  }
0x23: {  	[tilespmem:s2], [sflag:$0x1] =	stream.indirect_vreg.gather [hbm4b:s4+s3], $0x80, v4, vm0, $0xb8;
	[tilespmem:$0xC080] =	vst v63  }
0x24: {  	_ = 	snop  }
0x25: {  	[tilespmem:s9], [sflag:$0x1] =	stream.indirect_vreg.gather [hbm4b:s5+s3], $0x80, v4, vm0, $0xb8;
	[tilespmem:$0xC080] =	vst v63  }
0x26: {  	_ = 	snop  }
0x27: {  	[tilespmem:s10], [sflag:$0x1] =	stream.indirect_vreg.gather [hbm4b:s1+s3], $0x80, v3, vm0, $0xb8;
	[tilespmem:$0xC080] =	vst v63  }
0x28: {  	_ = 	snop  }
0x29: {  	[tilespmem:s11], [sflag:$0x1] =	stream.indirect_vreg.gather [hbm4b:s4+s3], $0x80, v3, vm0, $0xb8;
	[tilespmem:$0xC080] =	vst v63  }
0x2a: {  	_ = 	snop  }
0x2b: {  	[tilespmem:s12], [sflag:$0x1] =	stream.indirect_vreg.gather [hbm4b:s5+s3], $0x80, v3, vm0, $0xb8;
	[tilespmem:$0xC080] =	vst v63  }
0x2c: {  	v3 =	vld [tilespmem:$0x10];
	_ =	sdelay $0x4  }
0x2d: {  	v61 =	vshrl.u32 v3, $0x3  }
0x2e: {  	v4 =	vmul.u32 $0x30, v61  }
0x2f: {  	v3 =	vand.u32 $0x7, v3  }
0x30: {  	v3 =	vor.u32 v3, v4  }
0x31: {  	v4 =	vperm.xlane v3, v0;
	_ =	sdelay $0x1  }
0x32: {  	v4 =	vadd.s32 v1, v4;
	_ =	sdelay $0x3  }
0x33: {  	v3 =	vperm.xlane v3, v2  }
0x34: {  	[tilespmem:s13], [sflag:$0x1] =	stream.indirect_vreg.gather [hbm4b:s1+s3], $0x80, v4, vm0, $0xb8;
	[tilespmem:$0xC080] =	vst v63  }
0x35: {  	v3 =	vadd.s32 v1, v3  }
0x36: {  	[tilespmem:s14], [sflag:$0x1] =	stream.indirect_vreg.gather [hbm4b:s4+s3], $0x80, v4, vm0, $0xb8;
	[tilespmem:$0xC080] =	vst v63  }
0x37: {  	_ = 	snop  }
0x38: {  	[tilespmem:s15], [sflag:$0x1] =	stream.indirect_vreg.gather [hbm4b:s5+s3], $0x80, v4, vm0, $0xb8;
	[tilespmem:$0xC080] =	vst v63  }
0x39: {  	_ = 	snop  }
0x3a: {  	[tilespmem:s16], [sflag:$0x1] =	stream.indirect_vreg.gather [hbm4b:s1+s3], $0x80, v3, vm0, $0xb8;
	[tilespmem:$0xC080] =	vst v63  }
0x3b: {  	_ = 	snop  }
0x3c: {  	[tilespmem:s17], [sflag:$0x1] =	stream.indirect_vreg.gather [hbm4b:s4+s3], $0x80, v3, vm0, $0xb8;
	[tilespmem:$0xC080] =	vst v63  }
0x3d: {  	_ = 	snop  }
0x3e: {  	[tilespmem:s18], [sflag:$0x1] =	stream.indirect_vreg.gather [hbm4b:s5+s3], $0x80, v3, vm0, $0xb8;
	[tilespmem:$0xC080] =	vst v63  }
0x3f: {  	v3 =	vld [tilespmem:$0x20];
	_ =	sdelay $0x4  }
0x40: {  	v62 =	vshrl.u32 v3, $0x3  }
0x41: {  	v4 =	vmul.u32 $0x30, v62  }
0x42: {  	v3 =	vand.u32 $0x7, v3  }
0x43: {  	v3 =	vor.u32 v3, v4  }
0x44: {  	v4 =	vperm.xlane v3, v0;
	_ =	sdelay $0x1  }
0x45: {  	v4 =	vadd.s32 v1, v4;
	_ =	sdelay $0x3  }
0x46: {  	v3 =	vperm.xlane v3, v2  }
0x47: {  	[tilespmem:s19], [sflag:$0x1] =	stream.indirect_vreg.gather [hbm4b:s1+s3], $0x80, v4, vm0, $0xb8;
	[tilespmem:$0xC080] =	vst v63  }
0x48: {  	v3 =	vadd.s32 v1, v3  }
0x49: {  	[tilespmem:s20], [sflag:$0x1] =	stream.indirect_vreg.gather [hbm4b:s4+s3], $0x80, v4, vm0, $0xb8;
	[tilespmem:$0xC080] =	vst v63  }
0x4a: {  	_ = 	snop  }
0x4b: {  	[tilespmem:s21], [sflag:$0x1] =	stream.indirect_vreg.gather [hbm4b:s5+s3], $0x80, v4, vm0, $0xb8;
	[tilespmem:$0xC080] =	vst v63  }
0x4c: {  	_ = 	snop  }
0x4d: {  	[tilespmem:s22], [sflag:$0x1] =	stream.indirect_vreg.gather [hbm4b:s1+s3], $0x80, v3, vm0, $0xb8;
	[tilespmem:$0xC080] =	vst v63  }
0x4e: {  	_ = 	snop  }
0x4f: {  	[tilespmem:s23], [sflag:$0x1] =	stream.indirect_vreg.gather [hbm4b:s4+s3], $0x80, v3, vm0, $0xb8;
	[tilespmem:$0xC080] =	vst v63  }
0x50: {  	_ = 	snop  }
0x51: {  	[tilespmem:s24], [sflag:$0x1] =	stream.indirect_vreg.gather [hbm4b:s5+s3], $0x80, v3, vm0, $0xb8;
	[tilespmem:$0xC080] =	vst v63  }
0x52: {  	v3 =	vld [tilespmem:$0x30];
	_ =	sdelay $0x4  }
0x53: {  	v63 =	vshrl.u32 v3, $0x3  }
0x54: {  	v4 =	vmul.u32 $0x30, v63  }
0x55: {  	v3 =	vand.u32 $0x7, v3  }
0x56: {  	v3 =	vor.u32 v3, v4  }
0x57: {  	v4 =	vperm.xlane v3, v0;
	_ =	sdelay $0x1  }
0x58: {  	v4 =	vadd.s32 v1, v4;
	_ =	sdelay $0x3  }
0x59: {  	v3 =	vperm.xlane v3, v2  }
0x5a: {  	[tilespmem:s25], [sflag:$0x1] =	stream.indirect_vreg.gather [hbm4b:s1+s3], $0x80, v4, vm0, $0xb8;
	[tilespmem:$0xC080] =	vst v63  }
0x5b: {  	v3 =	vadd.s32 v1, v3  }
0x5c: {  	[tilespmem:s26], [sflag:$0x1] =	stream.indirect_vreg.gather [hbm4b:s4+s3], $0x80, v4, vm0, $0xb8;
	[tilespmem:$0xC080] =	vst v63  }
0x5d: {  	_ = 	snop  }
0x5e: {  	[tilespmem:s28], [sflag:$0x1] =	stream.indirect_vreg.gather [hbm4b:s5+s3], $0x80, v4, vm0, $0xb8;
	[tilespmem:$0xC080] =	vst v63  }
0x5f: {  	_ = 	snop  }
0x60: {  	[tilespmem:s29], [sflag:$0x1] =	stream.indirect_vreg.gather [hbm4b:s1+s3], $0x80, v3, vm0, $0xb8;
	[tilespmem:$0xC080] =	vst v63  }
0x61: {  	_ = 	snop  }
0x62: {  	[tilespmem:s30], [sflag:$0x1] =	stream.indirect_vreg.gather [hbm4b:s4+s3], $0x80, v3, vm0, $0xb8;
	[tilespmem:$0xC080] =	vst v63  }
0x63: {  	_ = 	snop  }
0x64: {  	[tilespmem:s31], [sflag:$0x1] =	stream.indirect_vreg.gather [hbm4b:s5+s3], $0x80, v3, vm0, $0xb8;
	[tilespmem:$0xC080] =	vst v63  }
0x65: {  	_ =	swait.ge [sflag:s0], $0xC000  }
0x66: {  	p0 =	sne.s32 s6, $0x1;
	[sflag:s0] =	ssyncset.done $0x0  }
.Ltmp0:
0x67: {  	s2 =	rddreg [dreg:$0x5];
	[sflag:s0] =	ssyncadd.s32 $0xFFFF4000;
	(pc) =	sbr.rel @p0 .LBB2_1-.Ltmp0, $4  }
0x68: {  	[hbm4b:s2+s3] =	stream.linear.scatter [tilespmem:s8], [sflag:$0x2], $0xC000, $0x38;
	[tilespmem:$0xC080] =	vst v63  }
0x69: {  	_ =	swait.ge [sflag:s7], $0xC000  }
0x6a: {  	[sflag:s7] =	ssyncset.done $0x0  }
0x6b: {  	s6 =	sadd.s32 $0xFFFFFFFF, s6;
	[sflag:s7] =	ssyncadd.s32 $0xFFFF4000  }
0x6c: {  	_ =	sfence.sel $0x180000  }
0x6d: {  	[bflag:$0x0] =	sbarrier.arrive $0xFFFF  }
0x6e: {  	_ =	strace $0x9000004A  }
0x6f: {  	s0 =	stileid.u32;
	[bflag:$0x2] =	sbarrier.arrive $0xFFFF  }
0x70: {  	p0 =	sne.s32 s0, $0x0;
	s0 =	rddreg [dreg:$0x3]  }
0x71: {  	s0 =	sadd.s32 @!p0 $0x100000, s0  }
0x72: {  	[sflag:s0] =	ssyncadd.tile.s32 @!p0 $0x1;
	_ =	shalt  }
.Lfunc_end2:
_tile_overlayer_lowered:
.L_overlay_start_2:
0x73: {  	(tag) =	ssettag $0x2  }
0x74: {  	s0 =	rddreg [dreg:$0x0];
	s2 =	stileid.u32  }
0x75: {  	s1 =	rddreg [dreg:$0x1];
	p0 =	sne.s32 s2, $0x0  }
0x76: {  	s3 =	rddreg [dreg:$0x2];
	[bflag:$0x3] =	sbarrier.arrive $0xFFFF;
	s2 =	simm.s32 @!p0 $0x1C02  }
0x77: {  	[timem:s3], [sflag:s2] =	dma.local @!p0 [hbm:s0], s1  }
0x78: {  	s0 =	simm.s32 @!p0 $0x2  }
0x79: {  	_ =	swait.ge @!p0 [sflag:s0], s1  }
0x7a: {  	s1 =	ssub.s32 @!p0 $0x0, s1;
	[sflag:s0] =	ssyncset.done @!p0 $0x0  }
0x7b: {  	[sflag:s0] =	ssyncadd.s32 @!p0 s1  }
0x7c: {  	[bflag:$0x3] =	sbarrier.arrive $0xFFFF  }
0x7d: {  	_ =	shalt  }

// kernel: kernel.8.cloned.1.call-start
scs
__scs_entry_jumppad:
0x0: {  	(pc) =	sbr.rel $0x88, $3  }
0x1: {  	(tag) =	ssettag $0x0;
	lr =	simm.s32 $0x1  }
0x2: {  	[smem:$0x3F9A] =	sst lr;
	_ =	strace $0xD0000000  }
0x3: {  	_ = 	snop  }
0x4: {  	_ = 	snop  }
0x5: {  	_ = 	snop  }
0x6: {  	_ = 	snop  }
0x7: {  	_ = 	snop  }
__scs_overlays_trampoline_lowered:
0x8: {  	[smem:$0x3FA9] =	sst s0  }
0x9: {  	[smem:$0x3FAA] =	sst s1  }
0xa: {  	[smem:$0x3FAB] =	sst s2  }
0xb: {  	[smem:$0x3FAC] =	sst s3  }
0xc: {  	[smem:$0x3FAD] =	sst s4  }
0xd: {  	[smem:$0x3FAE] =	sst s5  }
0xe: {  	[smem:$0x3FAF] =	sst s6  }
0xf: {  	[smem:$0x3FB0] =	sst s7  }
0x10: {  	[smem:$0x3FB1] =	sst s8  }
0x11: {  	[smem:$0x3FB2] =	sst s9;
	s0 =	simm.s32 @!p0 $0x0  }
0x12: {  	s1 =	sld [smem:$0x3F98];
	s0 =	simm.s32 @p0 $0x1  }
0x13: {  	[smem:$0x3FB3] =	sst s0;
	s0 =	simm.s32 @!p1 $0x0  }
0x14: {  	s2 =	sld [smem:$0x3F97];
	s0 =	simm.s32 @p1 $0x1  }
0x15: {  	[smem:$0x3FB4] =	sst s0;
	s0 =	simm.s32 @!p2 $0x0  }
0x16: {  	s3 =	sld [smem:$0x3FDB];
	s0 =	simm.s32 @p2 $0x1  }
0x17: {  	s4 =	simm.s32 $0x1BF5;
	[smem:$0x3FB6] =	sst s0  }
0x18: {  	s0 =	sld [smem:$0x3F99];
	_ =	swait.ge [sflag:s4], $0x0  }
0x19: {  	s7 =	sld [smem:$0x3F9A]  }
0x1a: {  	s8 =	sadd.s32 $0xFFFFE003, lr  }
0x1b: {  	s9 =	sadd.s32 $0xFFFFFEF7, lr;
	s5 =	simm.s32 $0xFFFFFFFF;
	p2 =	slt.u32 s8, $0xFFFFF086  }
0x1c: {  	p1 =	slt.u32 s9, $0xF7A;
	s5 =	simm.s32 @!p2 $0x0  }
0x1d: {  	s5 =	simm.s32 @p1 $0x1;
	p0 =	seq.s32 s7, s2  }
0x1e: {  	s7 =	smul.u32 @!p0 $0xF7A, s2;
	p2 =	seq.s32 @!p0 s5, $0x0  }
0x1f: {  	s9 =	smul.u32 $0xF7A, s1;
	s8 =	simm.s32 @!p0 $0x1BF5;
	p2 =	por !p2, p0  }
0x20: {  	[sflag:s8] =	ssyncset.s32 @!p0 $0xFFFFF086;
	s6 =	sadd.s32 @!p0 s3, s7;
	s7 =	simm.s32 @!p0 $0x108  }
0x21: {  	s3 =	sadd.s32 s3, s9;
	s6 =	sadd.s32 @!p0 $0x88, s6;
	s7 =	simm.s32 @p2 $0x1082  }
0x22: {  	[simem:s7], [sflag:s8] =	dma.local @!p0 [hbm:s6], $0xF7A  }
0x23: {  	s9 =	sor.u32 $0xD0000000, s2;
	s6 =	simm.s32 $0x108;
	_ =	swait.ge @!p0 [sflag:s8], $0x0  }
0x24: {  	s3 =	sadd.s32 $0x88, s3;
	s6 =	simm.s32 @!p1 $0x1082;
	[sflag:s4] =	ssyncset.s32 $0xFFFFF086  }
0x25: {  	[simem:s6], [sflag:s4] =	dma.local [hbm:s3], $0xF7A  }
0x26: {  	[smem:$0x3F9A] =	sst s1;
	(tag) =	ssettag s2;
	_ =	strace s9  }
0x27: {  	s1 =	sld [smem:$0x3FAA]  }
0x28: {  	s2 =	sld [smem:$0x3FAB]  }
0x29: {  	s4 =	sld [smem:$0x3FAD]  }
0x2a: {  	p0 =	seq.s32 s5, $0x0;
	s5 =	sld [smem:$0x3FAE]  }
0x2b: {  	s6 =	sld [smem:$0x3FAF]  }
0x2c: {  	s7 =	sld [smem:$0x3FB0]  }
0x2d: {  	s3 =	simm.s32 $0x108;
	s8 =	sld [smem:$0x3FB1]  }
0x2e: {  	s3 =	simm.s32 @!p0 $0x1082;
	s9 =	sld [smem:$0x3FB2]  }
0x2f: {  	lr =	sadd.s32 s0, s3;
	s0 =	sld [smem:$0x3FA9]  }
0x30: {  	s3 =	sld [smem:$0x3FAC]  }
0x31: {  	[smem:$0x3FB5] =	sst s10  }
0x32: {  	s10 =	sld [smem:$0x3FB3];
	_ =	sdelay $0x3  }
0x33: {  	p0 =	seq.s32 s10, $0x1;
	s10 =	sld [smem:$0x3FB5];
	_ =	sdelay $0x3  }
0x34: {  	[smem:$0x3FB5] =	sst s10  }
0x35: {  	s10 =	sld [smem:$0x3FB4];
	_ =	sdelay $0x3  }
0x36: {  	p1 =	seq.s32 s10, $0x1;
	s10 =	sld [smem:$0x3FB5];
	_ =	sdelay $0x3  }
0x37: {  	[smem:$0x3FB5] =	sst s10  }
0x38: {  	s10 =	sld [smem:$0x3FB6]  }
0x39: {  	_ = 	snop;
	(pc) =	sbr.ind lr, $3  }
0x3a: {  	_ = 	snop  }
0x3b: {  	_ = 	snop  }
0x3c: {  	p2 =	seq.s32 s10, $0x1;
	s10 =	sld [smem:$0x3FB5]  }
0x3d: {  	_ =	shalt  }
0x3e: {  	_ =	shalt  }
0x3f: {  	_ =	shalt  }
0x40: {  	_ =	shalt  }
0x41: {  	_ =	shalt  }
0x42: {  	_ =	shalt  }
0x43: {  	_ =	shalt  }
0x44: {  	_ =	shalt  }
0x45: {  	_ =	shalt  }
0x46: {  	_ =	shalt  }
0x47: {  	_ =	shalt  }
0x48: {  	_ =	shalt  }
0x49: {  	_ =	shalt  }
0x4a: {  	_ =	shalt  }
0x4b: {  	_ =	shalt  }
0x4c: {  	_ =	shalt  }
0x4d: {  	_ =	shalt  }
0x4e: {  	_ =	shalt  }
0x4f: {  	_ =	shalt  }
0x50: {  	_ =	shalt  }
0x51: {  	_ =	shalt  }
0x52: {  	_ =	shalt  }
0x53: {  	_ =	shalt  }
0x54: {  	_ =	shalt  }
0x55: {  	_ =	shalt  }
0x56: {  	_ =	shalt  }
0x57: {  	_ =	shalt  }
0x58: {  	_ =	shalt  }
0x59: {  	_ =	shalt  }
0x5a: {  	_ =	shalt  }
0x5b: {  	_ =	shalt  }
0x5c: {  	_ =	shalt  }
0x5d: {  	_ =	shalt  }
0x5e: {  	_ =	shalt  }
0x5f: {  	_ =	shalt  }
0x60: {  	_ =	shalt  }
0x61: {  	_ =	shalt  }
0x62: {  	_ =	shalt  }
0x63: {  	_ =	shalt  }
0x64: {  	_ =	shalt  }
0x65: {  	_ =	shalt  }
0x66: {  	_ =	shalt  }
0x67: {  	_ =	shalt  }
0x68: {  	_ =	shalt  }
0x69: {  	_ =	shalt  }
0x6a: {  	_ =	shalt  }
0x6b: {  	_ =	shalt  }
0x6c: {  	_ =	shalt  }
0x6d: {  	_ =	shalt  }
0x6e: {  	_ =	shalt  }
0x6f: {  	_ =	shalt  }
0x70: {  	_ =	shalt  }
0x71: {  	_ =	shalt  }
0x72: {  	_ =	shalt  }
0x73: {  	_ =	shalt  }
0x74: {  	_ =	shalt  }
0x75: {  	_ =	shalt  }
0x76: {  	_ =	shalt  }
0x77: {  	_ =	shalt  }
0x78: {  	_ =	shalt  }
0x79: {  	_ =	shalt  }
0x7a: {  	_ =	shalt  }
0x7b: {  	_ =	shalt  }
0x7c: {  	_ =	shalt  }
0x7d: {  	_ =	shalt  }
0x7e: {  	_ =	shalt  }
0x7f: {  	_ =	shalt  }
0x80: {  	_ =	shalt  }
0x81: {  	_ =	shalt  }
0x82: {  	_ =	shalt  }
0x83: {  	_ =	shalt  }
0x84: {  	_ =	shalt  }
0x85: {  	_ =	shalt  }
0x86: {  	_ =	shalt  }
0x87: {  	_ =	shalt  }
.Lfunc_end0:
.L_simem_size_0:
called_computation.2_lowered:
.L_overlay_start_0:
0x88: {  	s2 =	sld [smem:$0x3FD9]  }
0x89: {  	s3 =	sld [smem:$0x3FFE];
	_ =	sdelay $0x1  }
0x8a: {  	s1 =	srdreg.scid  }
0x8b: {  	s0 =	sand.u32 $0x1, s1  }
0x8c: {  	s17 =	sshll.u32 s0, $0xA;
	s2 =	sadd.s32 s3, s2  }
0x8d: {  	s2 =	sadd.s32 s2, s17  }
0x8e: {  	[smem:$0x3FC1] =	sst s2  }
0x8f: {  	_ = 	snop  }
0x90: {  	s2 =	sld [smem:$0x3FD0];
	(tm) =	ssettm $0x1  }
0x91: {  	s18 =	sld [smem:$0x3FFB];
	_ =	sdelay $0x3  }
0x92: {  	_ =	strace s18  }
0x93: {  	s3 =	sld [smem:$0x3FFC];
	_ =	sdelay $0x3  }
0x94: {  	_ =	strace s3  }
0x95: {  	s3 =	sld [smem:$0x3FFD];
	_ =	sdelay $0x3  }
0x96: {  	_ =	strace s3  }
0x97: {  	_ =	strace $0x8FFFFFFF  }
0x98: {  	s19 =	sld [smem:$0x3FDB];
	_ =	sdelay $0x1  }
0x99: {  	s4 =	simm.s32 $_scs_section_size  }
0x9a: {  	s5 =	simm.s32 $_size__tile_overlayer_lowered;
	s6 =	simm.s32 $_tile_overlayer_lowered  }
0x9b: {  	s22 =	simm.s32 $0x1BFF;
	s21 =	sshll.u32 s6, $0x1;
	s3 =	sadd.s32 s4, s19  }
0x9c: {  	s7 =	simm.s32 $0x0;
	s20 =	sshll.u32 s5, $0x1;
	s5 =	sadd.s32 s21, s3  }
0x9d: {  	[timem:s7], [sflag:s22] =	dma.local [hbm:s5], s20  }
0x9e: {  	_ =	swait.ge [sflag:s22], s20  }
0x9f: {  	s4 =	ssub.s32 $0x0, s20;
	[sflag:s22] =	ssyncset.done $0x0  }
0xa0: {  	[sflag:s22] =	ssyncadd.s32 s4;
	_ =	sdelay $0x1  }
0xa1: {  	s23 =	simm.s32 $0x1B8B  }
0xa2: {  	_ =	swait.ge [sflag:s23], $0x1  }
0xa3: {  	[sflag:s23] =	ssyncset.done $0x0  }
0xa4: {  	s25 =	simm.s32 $0x1B8E;
	s24 =	sld [smem:$0x3FFE];
	[sflag:s23] =	ssyncadd.s32 $0xFFFFFFFF  }
0xa5: {  	s26 =	simm.s32 $execute0_lowered;
	[smem:$0x3FD2] =	sst s25  }
0xa6: {  	s5 =	sshll.u32 s26, $0x1;
	_ =	strace $0x8000004C;
	[dreg:$0x1] =	wrdreg $0xFFFFFFFF  }
0xa7: {  	s28 =	simm.s32 $_size_execute0_lowered;
	s3 =	sadd.s32 s3, s5;
	[dreg:$0x0] =	wrdreg $0x0  }
0xa8: {  	s5 =	sshll.u32 s28, $0x1;
	[dreg:$0x2] =	wrdreg s3  }
0xa9: {  	[dreg:$0x3] =	wrdreg s5  }
0xaa: {  	[dreg:$0x4] =	wrdreg $0xC0  }
0xab: {  	_ =	task [dreg:s7], $0x5FFFF  }
0xac: {  	[dreg:$0x1] =	wrdreg $0xFFFFFFFF  }
0xad: {  	[dreg:$0x0] =	wrdreg $0x60  }
0xae: {  	[dreg:$0x2] =	wrdreg s24  }
0xaf: {  	[dreg:$0x3] =	wrdreg s2  }
0xb0: {  	[dreg:$0x4] =	wrdreg $0x9  }
0xb1: {  	_ =	task.clear_ibuf [dreg:s7], $0x5FFFF;
	_ =	strace $0x9000004C  }
0xb2: {  	s29 =	simm.s32 $0x9;
	_ =	strace $0x8000004E  }
0xb3: {  	_ =	swait.ge [sflag:s29], $0x1  }
0xb4: {  	[sflag:s29] =	ssyncadd.s32 $0xFFFFFFFF  }
0xb5: {  	_ =	strace $0x9000004E  }
0xb6: {  	_ =	sfence  }
0xb7: {  	s30 =	sld [smem:$0x0];
	_ =	sdelay $0x2  }
0xb8: {  	s31 =	sshll.u32 s1, $0xD;
	s1 =	sshrl.u32 s1, $0x2  }
0xb9: {  	s3 =	sand.u32 $0x4000, s31;
	s1 =	sadd.s32 s1, s30  }
0xba: {  	s0 =	sor.u32 s3, s0;
	s1 =	sshll.u32 s1, $0x11  }
0xbb: {  	s0 =	sor.u32 s1, s0  }
0xbc: {  	s0 =	sadd.s32 $0x8F2B, s0  }
0xbd: {  	[sflag:s0] =	ssyncadd.remote.s32 $0x1  }
0xbe: {  	_ =	sfence.sel $0xFFFF  }
0xbf: {  	[dreg:$0x0] =	wrdreg $0xFFFFFFFF;
	(pc) =	sbr.abs _section_cstart, $3  }
0xc0: {  	[dreg:$0x1] =	wrdreg $0xFFFFFFFF  }
0xc1: {  	_ =	task.clear_ibuf [dreg:s7], $0x2FFFF;
	_ =	strace $0x9FFFFFFF  }
0xc2: {  	(tm) =	ssettm $0x7FFFFFFF  }
0xc3: {  	_ =	shalt  }
tec
execute0_lowered:
.L_overlay_start_1:
0x0: {  	(tag) =	ssettag $0x1  }
0x1: {  	s0 =	rddreg [dreg:$0x0]  }
0x2: {  	s5 =	rddreg [dreg:$0x1];
	s3 =	srdreg.scid  }
0x3: {  	s2 =	simm.s32 $0x0;
	s1 =	stileid.u32;
	s26 =	simm.s32 $0x880  }
0x4: {  	s10 =	simm.s32 $0x1880;
	s11 =	simm.s32 $0x2080;
	s12 =	simm.s32 $0x2880  }
0x5: {  	s13 =	simm.s32 $0x3080;
	s14 =	simm.s32 $0x3880;
	s15 =	simm.s32 $0x4080  }
0x6: {  	s16 =	simm.s32 $0x4880;
	s17 =	simm.s32 $0x5080;
	s18 =	simm.s32 $0x5880  }
0x7: {  	s19 =	simm.s32 $0x6080;
	s20 =	simm.s32 $0x6880;
	s21 =	simm.s32 $0x7080  }
0x8: {  	s22 =	simm.s32 $0x7880;
	s28 =	simm.s32 $0xA080;
	s29 =	simm.s32 $0xA880  }
0x9: {  	s30 =	simm.s32 $0xB080;
	s31 =	simm.s32 $0xB880;
	s3 =	sand.u32 $0x1, s3  }
0xa: {  	[smem:$0x7FF] =	sst s2;
	s4 =	sshll.u32 s1, $0x4;
	s6 =	sshll.u32 s3, $0x3  }
0xb: {  	_ =	strace $0x8000004D;
	s23 =	ssub.s32 $0x2, s3;
	s3 =	sadd.s32 $0xC00, s0  }
0xc: {  	[dreg:$0x5] =	wrdreg s26;
	s26 =	simm.s32 $0x9880;
	s4 =	sor.u32 s6, s4  }
0xd: {  	s8 =	sshrl.u32 s23, $0x1;
	s7 =	sadd.s32 s4, s0;
	s9 =	smul.u32 $0x300, s4  }
0xe: {  	s6 =	ssub.s32 s23, s8;
	s4 =	sadd.s32 $0xD00, s0;
	s8 =	simm.s32 $0x80  }
0xf: {  	s23 =	simm.s32 $0x8080;
	s24 =	sadd.s32 $0xA00, s7;
	s6 =	smax.u32 s6, $0x1  }
0x10: {  	v2 =	vlaneseq.u32;
	s7 =	simm.s32 $0x2;
	[dreg:$0x3] =	wrdreg s24;
	s25 =	sadd.s32 s5, s9  }
0x11: {  	vm0 =	vmmov $0xffff;
	v1 =	vshrl.u32 v2, $0x3;
	s5 =	sadd.s32 $0xE00, s0;
	s9 =	simm.s32 $0x1080;
	s24 =	simm.s32 $0x8880  }
0x12: {  	v0 =	vand.u32 $0x7, v2;
	v2 =	vor.u32 $0x8, v2;
	v1 =	vmul.u32 $0x8, v1;
	s0 =	simm.s32 $0x1;
	[dreg:$0x4] =	wrdreg s25;
	s25 =	simm.s32 $0x9080  }
.LBB2_1:
0x13: {  	s1 =	rddreg [dreg:$0x3]  }
0x14: {  	[tilespmem:s2], [sflag:$0x2] =	stream.linear.gather [hbm4b:s1+s2], $0x40, $0x38;
	[tilespmem:$0xC080] =	vst v63  }
0x15: {  	_ =	swait.ge [sflag:s7], $0x40  }
0x16: {  	[sflag:s7] =	ssyncset.done $0x0  }
0x17: {  	[sflag:s7] =	ssyncadd.s32 $0xFFFFFFC0  }
0x18: {  	v3 =	vld [tilespmem:$0x0];
	_ =	sdelay $0x4  }
0x19: {  	v4 =	vshrl.u32 v3, $0x3  }
0x1a: {  	v4 =	vmul.u32 $0x30, v4  }
0x1b: {  	v3 =	vand.u32 $0x7, v3  }
0x1c: {  	v3 =	vor.u32 v3, v4  }
0x1d: {  	v4 =	vperm.xlane v3, v0;
	_ =	sdelay $0x1  }
0x1e: {  	v4 =	vadd.s32 v1, v4;
	_ =	sdelay $0x3  }
0x1f: {  	v3 =	vperm.xlane v3, v2  }
0x20: {  	[tilespmem:s8], [sflag:$0x1] =	stream.indirect_vreg.gather [hbm4b:s3+s2], $0x80, v4, vm0, $0xb8;
	[tilespmem:$0xC080] =	vst v63  }
0x21: {  	s1 =	rddreg [dreg:$0x5];
	v3 =	vadd.s32 v1, v3  }
0x22: {  	[tilespmem:s1], [sflag:$0x1] =	stream.indirect_vreg.gather [hbm4b:s4+s2], $0x80, v4, vm0, $0xb8;
	[tilespmem:$0xC080] =	vst v63  }
0x23: {  	_ = 	snop  }
0x24: {  	[tilespmem:s9], [sflag:$0x1] =	stream.indirect_vreg.gather [hbm4b:s5+s2], $0x80, v4, vm0, $0xb8;
	[tilespmem:$0xC080] =	vst v63  }
0x25: {  	_ = 	snop  }
0x26: {  	[tilespmem:s10], [sflag:$0x1] =	stream.indirect_vreg.gather [hbm4b:s3+s2], $0x80, v3, vm0, $0xb8;
	[tilespmem:$0xC080] =	vst v63  }
0x27: {  	_ = 	snop  }
0x28: {  	[tilespmem:s11], [sflag:$0x1] =	stream.indirect_vreg.gather [hbm4b:s4+s2], $0x80, v3, vm0, $0xb8;
	[tilespmem:$0xC080] =	vst v63  }
0x29: {  	_ = 	snop  }
0x2a: {  	[tilespmem:s12], [sflag:$0x1] =	stream.indirect_vreg.gather [hbm4b:s5+s2], $0x80, v3, vm0, $0xb8;
	[tilespmem:$0xC080] =	vst v63  }
0x2b: {  	v3 =	vld [tilespmem:$0x10];
	_ =	sdelay $0x4  }
0x2c: {  	v61 =	vshrl.u32 v3, $0x3  }
0x2d: {  	v4 =	vmul.u32 $0x30, v61  }
0x2e: {  	v3 =	vand.u32 $0x7, v3  }
0x2f: {  	v3 =	vor.u32 v3, v4  }
0x30: {  	v4 =	vperm.xlane v3, v0;
	_ =	sdelay $0x1  }
0x31: {  	v4 =	vadd.s32 v1, v4;
	_ =	sdelay $0x3  }
0x32: {  	v3 =	vperm.xlane v3, v2  }
0x33: {  	[tilespmem:s13], [sflag:$0x1] =	stream.indirect_vreg.gather [hbm4b:s3+s2], $0x80, v4, vm0, $0xb8;
	[tilespmem:$0xC080] =	vst v63  }
0x34: {  	v3 =	vadd.s32 v1, v3  }
0x35: {  	[tilespmem:s14], [sflag:$0x1] =	stream.indirect_vreg.gather [hbm4b:s4+s2], $0x80, v4, vm0, $0xb8;
	[tilespmem:$0xC080] =	vst v63  }
0x36: {  	_ = 	snop  }
0x37: {  	[tilespmem:s15], [sflag:$0x1] =	stream.indirect_vreg.gather [hbm4b:s5+s2], $0x80, v4, vm0, $0xb8;
	[tilespmem:$0xC080] =	vst v63  }
0x38: {  	_ = 	snop  }
0x39: {  	[tilespmem:s16], [sflag:$0x1] =	stream.indirect_vreg.gather [hbm4b:s3+s2], $0x80, v3, vm0, $0xb8;
	[tilespmem:$0xC080] =	vst v63  }
0x3a: {  	_ = 	snop  }
0x3b: {  	[tilespmem:s17], [sflag:$0x1] =	stream.indirect_vreg.gather [hbm4b:s4+s2], $0x80, v3, vm0, $0xb8;
	[tilespmem:$0xC080] =	vst v63  }
0x3c: {  	_ = 	snop  }
0x3d: {  	[tilespmem:s18], [sflag:$0x1] =	stream.indirect_vreg.gather [hbm4b:s5+s2], $0x80, v3, vm0, $0xb8;
	[tilespmem:$0xC080] =	vst v63  }
0x3e: {  	v3 =	vld [tilespmem:$0x20];
	_ =	sdelay $0x4  }
0x3f: {  	v62 =	vshrl.u32 v3, $0x3  }
0x40: {  	v4 =	vmul.u32 $0x30, v62  }
0x41: {  	v3 =	vand.u32 $0x7, v3  }
0x42: {  	v3 =	vor.u32 v3, v4  }
0x43: {  	v4 =	vperm.xlane v3, v0;
	_ =	sdelay $0x1  }
0x44: {  	v4 =	vadd.s32 v1, v4;
	_ =	sdelay $0x3  }
0x45: {  	v3 =	vperm.xlane v3, v2  }
0x46: {  	[tilespmem:s19], [sflag:$0x1] =	stream.indirect_vreg.gather [hbm4b:s3+s2], $0x80, v4, vm0, $0xb8;
	[tilespmem:$0xC080] =	vst v63  }
0x47: {  	v3 =	vadd.s32 v1, v3  }
0x48: {  	[tilespmem:s20], [sflag:$0x1] =	stream.indirect_vreg.gather [hbm4b:s4+s2], $0x80, v4, vm0, $0xb8;
	[tilespmem:$0xC080] =	vst v63  }
0x49: {  	_ = 	snop  }
0x4a: {  	[tilespmem:s21], [sflag:$0x1] =	stream.indirect_vreg.gather [hbm4b:s5+s2], $0x80, v4, vm0, $0xb8;
	[tilespmem:$0xC080] =	vst v63  }
0x4b: {  	_ = 	snop  }
0x4c: {  	[tilespmem:s22], [sflag:$0x1] =	stream.indirect_vreg.gather [hbm4b:s3+s2], $0x80, v3, vm0, $0xb8;
	[tilespmem:$0xC080] =	vst v63  }
0x4d: {  	_ = 	snop  }
0x4e: {  	[tilespmem:s23], [sflag:$0x1] =	stream.indirect_vreg.gather [hbm4b:s4+s2], $0x80, v3, vm0, $0xb8;
	[tilespmem:$0xC080] =	vst v63  }
0x4f: {  	_ = 	snop  }
0x50: {  	[tilespmem:s24], [sflag:$0x1] =	stream.indirect_vreg.gather [hbm4b:s5+s2], $0x80, v3, vm0, $0xb8;
	[tilespmem:$0xC080] =	vst v63  }
0x51: {  	v3 =	vld [tilespmem:$0x30];
	_ =	sdelay $0x4  }
0x52: {  	v63 =	vshrl.u32 v3, $0x3  }
0x53: {  	v4 =	vmul.u32 $0x30, v63  }
0x54: {  	v3 =	vand.u32 $0x7, v3  }
0x55: {  	v3 =	vor.u32 v3, v4  }
0x56: {  	v4 =	vperm.xlane v3, v0;
	_ =	sdelay $0x1  }
0x57: {  	v4 =	vadd.s32 v1, v4;
	_ =	sdelay $0x3  }
0x58: {  	v3 =	vperm.xlane v3, v2  }
0x59: {  	[tilespmem:s25], [sflag:$0x1] =	stream.indirect_vreg.gather [hbm4b:s3+s2], $0x80, v4, vm0, $0xb8;
	[tilespmem:$0xC080] =	vst v63  }
0x5a: {  	v3 =	vadd.s32 v1, v3  }
0x5b: {  	[tilespmem:s26], [sflag:$0x1] =	stream.indirect_vreg.gather [hbm4b:s4+s2], $0x80, v4, vm0, $0xb8;
	[tilespmem:$0xC080] =	vst v63  }
0x5c: {  	_ = 	snop  }
0x5d: {  	[tilespmem:s28], [sflag:$0x1] =	stream.indirect_vreg.gather [hbm4b:s5+s2], $0x80, v4, vm0, $0xb8;
	[tilespmem:$0xC080] =	vst v63  }
0x5e: {  	_ = 	snop  }
0x5f: {  	[tilespmem:s29], [sflag:$0x1] =	stream.indirect_vreg.gather [hbm4b:s3+s2], $0x80, v3, vm0, $0xb8;
	[tilespmem:$0xC080] =	vst v63  }
0x60: {  	_ = 	snop  }
0x61: {  	[tilespmem:s30], [sflag:$0x1] =	stream.indirect_vreg.gather [hbm4b:s4+s2], $0x80, v3, vm0, $0xb8;
	[tilespmem:$0xC080] =	vst v63  }
0x62: {  	_ = 	snop  }
0x63: {  	[tilespmem:s31], [sflag:$0x1] =	stream.indirect_vreg.gather [hbm4b:s5+s2], $0x80, v3, vm0, $0xb8;
	[tilespmem:$0xC080] =	vst v63  }
0x64: {  	_ =	swait.ge [sflag:s0], $0xC000  }
0x65: {  	p0 =	sne.s32 s6, $0x1;
	[sflag:s0] =	ssyncset.done $0x0  }
.Ltmp0:
0x66: {  	s1 =	rddreg [dreg:$0x4];
	[sflag:s0] =	ssyncadd.s32 $0xFFFF4000;
	(pc) =	sbr.rel @p0 .LBB2_1-.Ltmp0, $4  }
0x67: {  	[hbm4b:s1+s2] =	stream.linear.scatter [tilespmem:s8], [sflag:$0x2], $0xC000, $0x38;
	[tilespmem:$0xC080] =	vst v63  }
0x68: {  	_ =	swait.ge [sflag:s7], $0xC000  }
0x69: {  	[sflag:s7] =	ssyncset.done $0x0  }
0x6a: {  	s6 =	sadd.s32 $0xFFFFFFFF, s6;
	[sflag:s7] =	ssyncadd.s32 $0xFFFF4000  }
0x6b: {  	_ =	sfence.sel $0x180000  }
0x6c: {  	[bflag:$0x0] =	sbarrier.arrive $0xFFFF  }
0x6d: {  	_ =	strace $0x9000004D  }
0x6e: {  	s0 =	stileid.u32;
	[bflag:$0x2] =	sbarrier.arrive $0xFFFF  }
0x6f: {  	p0 =	sne.s32 s0, $0x0;
	s0 =	rddreg [dreg:$0x2]  }
0x70: {  	s0 =	sadd.s32 @!p0 $0x100000, s0  }
0x71: {  	[sflag:s0] =	ssyncadd.tile.s32 @!p0 $0x1;
	_ =	shalt  }
.Lfunc_end2:
_tile_overlayer_lowered:
.L_overlay_start_2:
0x72: {  	(tag) =	ssettag $0x2  }
0x73: {  	s0 =	rddreg [dreg:$0x0];
	s2 =	stileid.u32  }
0x74: {  	s1 =	rddreg [dreg:$0x1];
	p0 =	sne.s32 s2, $0x0  }
0x75: {  	s3 =	rddreg [dreg:$0x2];
	[bflag:$0x3] =	sbarrier.arrive $0xFFFF;
	s2 =	simm.s32 @!p0 $0x1C02  }
0x76: {  	[timem:s3], [sflag:s2] =	dma.local @!p0 [hbm:s0], s1  }
0x77: {  	s0 =	simm.s32 @!p0 $0x2  }
0x78: {  	_ =	swait.ge @!p0 [sflag:s0], s1  }
0x79: {  	s1 =	ssub.s32 @!p0 $0x0, s1;
	[sflag:s0] =	ssyncset.done @!p0 $0x0  }
0x7a: {  	[sflag:s0] =	ssyncadd.s32 @!p0 s1  }
0x7b: {  	[bflag:$0x3] =	sbarrier.arrive $0xFFFF  }
0x7c: {  	_ =	shalt  }

// kernel: scatter_offload_async_start
scs
__scs_entry_jumppad:
0x0: {  	(pc) =	sbr.rel $0x88, $3  }
0x1: {  	(tag) =	ssettag $0x0;
	lr =	simm.s32 $0x1  }
0x2: {  	[smem:$0x3F9A] =	sst lr;
	_ =	strace $0xD0000000  }
0x3: {  	_ = 	snop  }
0x4: {  	_ = 	snop  }
0x5: {  	_ = 	snop  }
0x6: {  	_ = 	snop  }
0x7: {  	_ = 	snop  }
__scs_overlays_trampoline_lowered:
0x8: {  	[smem:$0x3FA9] =	sst s0  }
0x9: {  	[smem:$0x3FAA] =	sst s1  }
0xa: {  	[smem:$0x3FAB] =	sst s2  }
0xb: {  	[smem:$0x3FAC] =	sst s3  }
0xc: {  	[smem:$0x3FAD] =	sst s4  }
0xd: {  	[smem:$0x3FAE] =	sst s5  }
0xe: {  	[smem:$0x3FAF] =	sst s6  }
0xf: {  	[smem:$0x3FB0] =	sst s7  }
0x10: {  	[smem:$0x3FB1] =	sst s8  }
0x11: {  	[smem:$0x3FB2] =	sst s9;
	s0 =	simm.s32 @!p0 $0x0  }
0x12: {  	s1 =	sld [smem:$0x3F98];
	s0 =	simm.s32 @p0 $0x1  }
0x13: {  	[smem:$0x3FB3] =	sst s0;
	s0 =	simm.s32 @!p1 $0x0  }
0x14: {  	s2 =	sld [smem:$0x3F97];
	s0 =	simm.s32 @p1 $0x1  }
0x15: {  	[smem:$0x3FB4] =	sst s0;
	s0 =	simm.s32 @!p2 $0x0  }
0x16: {  	s3 =	sld [smem:$0x3FDB];
	s0 =	simm.s32 @p2 $0x1  }
0x17: {  	s4 =	simm.s32 $0x1BF5;
	[smem:$0x3FB6] =	sst s0  }
0x18: {  	s0 =	sld [smem:$0x3F99];
	_ =	swait.ge [sflag:s4], $0x0  }
0x19: {  	s7 =	sld [smem:$0x3F9A]  }
0x1a: {  	s8 =	sadd.s32 $0xFFFFE003, lr  }
0x1b: {  	s9 =	sadd.s32 $0xFFFFFEF7, lr;
	s5 =	simm.s32 $0xFFFFFFFF;
	p2 =	slt.u32 s8, $0xFFFFF086  }
0x1c: {  	p1 =	slt.u32 s9, $0xF7A;
	s5 =	simm.s32 @!p2 $0x0  }
0x1d: {  	s5 =	simm.s32 @p1 $0x1;
	p0 =	seq.s32 s7, s2  }
0x1e: {  	s7 =	smul.u32 @!p0 $0xF7A, s2;
	p2 =	seq.s32 @!p0 s5, $0x0  }
0x1f: {  	s9 =	smul.u32 $0xF7A, s1;
	s8 =	simm.s32 @!p0 $0x1BF5;
	p2 =	por !p2, p0  }
0x20: {  	[sflag:s8] =	ssyncset.s32 @!p0 $0xFFFFF086;
	s6 =	sadd.s32 @!p0 s3, s7;
	s7 =	simm.s32 @!p0 $0x108  }
0x21: {  	s3 =	sadd.s32 s3, s9;
	s6 =	sadd.s32 @!p0 $0x88, s6;
	s7 =	simm.s32 @p2 $0x1082  }
0x22: {  	[simem:s7], [sflag:s8] =	dma.local @!p0 [hbm:s6], $0xF7A  }
0x23: {  	s9 =	sor.u32 $0xD0000000, s2;
	s6 =	simm.s32 $0x108;
	_ =	swait.ge @!p0 [sflag:s8], $0x0  }
0x24: {  	s3 =	sadd.s32 $0x88, s3;
	s6 =	simm.s32 @!p1 $0x1082;
	[sflag:s4] =	ssyncset.s32 $0xFFFFF086  }
0x25: {  	[simem:s6], [sflag:s4] =	dma.local [hbm:s3], $0xF7A  }
0x26: {  	[smem:$0x3F9A] =	sst s1;
	(tag) =	ssettag s2;
	_ =	strace s9  }
0x27: {  	s1 =	sld [smem:$0x3FAA]  }
0x28: {  	s2 =	sld [smem:$0x3FAB]  }
0x29: {  	s4 =	sld [smem:$0x3FAD]  }
0x2a: {  	p0 =	seq.s32 s5, $0x0;
	s5 =	sld [smem:$0x3FAE]  }
0x2b: {  	s6 =	sld [smem:$0x3FAF]  }
0x2c: {  	s7 =	sld [smem:$0x3FB0]  }
0x2d: {  	s3 =	simm.s32 $0x108;
	s8 =	sld [smem:$0x3FB1]  }
0x2e: {  	s3 =	simm.s32 @!p0 $0x1082;
	s9 =	sld [smem:$0x3FB2]  }
0x2f: {  	lr =	sadd.s32 s0, s3;
	s0 =	sld [smem:$0x3FA9]  }
0x30: {  	s3 =	sld [smem:$0x3FAC]  }
0x31: {  	[smem:$0x3FB5] =	sst s10  }
0x32: {  	s10 =	sld [smem:$0x3FB3];
	_ =	sdelay $0x3  }
0x33: {  	p0 =	seq.s32 s10, $0x1;
	s10 =	sld [smem:$0x3FB5];
	_ =	sdelay $0x3  }
0x34: {  	[smem:$0x3FB5] =	sst s10  }
0x35: {  	s10 =	sld [smem:$0x3FB4];
	_ =	sdelay $0x3  }
0x36: {  	p1 =	seq.s32 s10, $0x1;
	s10 =	sld [smem:$0x3FB5];
	_ =	sdelay $0x3  }
0x37: {  	[smem:$0x3FB5] =	sst s10  }
0x38: {  	s10 =	sld [smem:$0x3FB6]  }
0x39: {  	_ = 	snop;
	(pc) =	sbr.ind lr, $3  }
0x3a: {  	_ = 	snop  }
0x3b: {  	_ = 	snop  }
0x3c: {  	p2 =	seq.s32 s10, $0x1;
	s10 =	sld [smem:$0x3FB5]  }
0x3d: {  	_ =	shalt  }
0x3e: {  	_ =	shalt  }
0x3f: {  	_ =	shalt  }
0x40: {  	_ =	shalt  }
0x41: {  	_ =	shalt  }
0x42: {  	_ =	shalt  }
0x43: {  	_ =	shalt  }
0x44: {  	_ =	shalt  }
0x45: {  	_ =	shalt  }
0x46: {  	_ =	shalt  }
0x47: {  	_ =	shalt  }
0x48: {  	_ =	shalt  }
0x49: {  	_ =	shalt  }
0x4a: {  	_ =	shalt  }
0x4b: {  	_ =	shalt  }
0x4c: {  	_ =	shalt  }
0x4d: {  	_ =	shalt  }
0x4e: {  	_ =	shalt  }
0x4f: {  	_ =	shalt  }
0x50: {  	_ =	shalt  }
0x51: {  	_ =	shalt  }
0x52: {  	_ =	shalt  }
0x53: {  	_ =	shalt  }
0x54: {  	_ =	shalt  }
0x55: {  	_ =	shalt  }
0x56: {  	_ =	shalt  }
0x57: {  	_ =	shalt  }
0x58: {  	_ =	shalt  }
0x59: {  	_ =	shalt  }
0x5a: {  	_ =	shalt  }
0x5b: {  	_ =	shalt  }
0x5c: {  	_ =	shalt  }
0x5d: {  	_ =	shalt  }
0x5e: {  	_ =	shalt  }
0x5f: {  	_ =	shalt  }
0x60: {  	_ =	shalt  }
0x61: {  	_ =	shalt  }
0x62: {  	_ =	shalt  }
0x63: {  	_ =	shalt  }
0x64: {  	_ =	shalt  }
0x65: {  	_ =	shalt  }
0x66: {  	_ =	shalt  }
0x67: {  	_ =	shalt  }
0x68: {  	_ =	shalt  }
0x69: {  	_ =	shalt  }
0x6a: {  	_ =	shalt  }
0x6b: {  	_ =	shalt  }
0x6c: {  	_ =	shalt  }
0x6d: {  	_ =	shalt  }
0x6e: {  	_ =	shalt  }
0x6f: {  	_ =	shalt  }
0x70: {  	_ =	shalt  }
0x71: {  	_ =	shalt  }
0x72: {  	_ =	shalt  }
0x73: {  	_ =	shalt  }
0x74: {  	_ =	shalt  }
0x75: {  	_ =	shalt  }
0x76: {  	_ =	shalt  }
0x77: {  	_ =	shalt  }
0x78: {  	_ =	shalt  }
0x79: {  	_ =	shalt  }
0x7a: {  	_ =	shalt  }
0x7b: {  	_ =	shalt  }
0x7c: {  	_ =	shalt  }
0x7d: {  	_ =	shalt  }
0x7e: {  	_ =	shalt  }
0x7f: {  	_ =	shalt  }
0x80: {  	_ =	shalt  }
0x81: {  	_ =	shalt  }
0x82: {  	_ =	shalt  }
0x83: {  	_ =	shalt  }
0x84: {  	_ =	shalt  }
0x85: {  	_ =	shalt  }
0x86: {  	_ =	shalt  }
0x87: {  	_ =	shalt  }
.Lfunc_end0:
.L_simem_size_0:
called_computation_lowered:
.L_overlay_start_0:
0x88: {  	s0 =	sld [smem:$0x3FD9]  }
0x89: {  	s1 =	sld [smem:$0x3FFE];
	_ =	sdelay $0x3  }
0x8a: {  	s0 =	sadd.s32 s1, s0  }
0x8b: {  	[smem:$0x3FC1] =	sst s0  }
0x8c: {  	_ = 	snop  }
0x8d: {  	(tm) =	ssettm $0x1  }
0x8e: {  	s15 =	sld [smem:$0x3FFB];
	_ =	sdelay $0x3  }
0x8f: {  	_ =	strace s15  }
0x90: {  	s0 =	sld [smem:$0x3FFC];
	_ =	sdelay $0x3  }
0x91: {  	_ =	strace s0  }
0x92: {  	s0 =	sld [smem:$0x3FFD];
	_ =	sdelay $0x3  }
0x93: {  	_ =	strace s0  }
0x94: {  	_ =	strace $0x8FFFFFFF  }
0x95: {  	s16 =	sld [smem:$0x3FDB];
	_ =	sdelay $0x1  }
0x96: {  	s17 =	simm.s32 $_scs_section_size  }
0x97: {  	s2 =	simm.s32 $_size__tile_overlayer_lowered;
	s3 =	simm.s32 $_tile_overlayer_lowered  }
0x98: {  	s20 =	simm.s32 $0x1BFF;
	s19 =	sshll.u32 s3, $0x1;
	s0 =	sadd.s32 s17, s16  }
0x99: {  	s4 =	simm.s32 $0x0;
	s18 =	sshll.u32 s2, $0x1;
	s2 =	sadd.s32 s19, s0  }
0x9a: {  	[timem:s4], [sflag:s20] =	dma.local [hbm:s2], s18  }
0x9b: {  	_ =	swait.ge [sflag:s20], s18  }
0x9c: {  	s1 =	ssub.s32 $0x0, s18;
	[sflag:s20] =	ssyncset.done $0x0  }
0x9d: {  	[sflag:s20] =	ssyncadd.s32 s1;
	_ =	sdelay $0x1  }
0x9e: {  	s21 =	simm.s32 $0x1B8B  }
0x9f: {  	_ =	swait.ge [sflag:s21], $0x1  }
0xa0: {  	[sflag:s21] =	ssyncset.done $0x0  }
0xa1: {  	s23 =	simm.s32 $0x1B8E;
	s22 =	sld [smem:$0x3FFE];
	[sflag:s21] =	ssyncadd.s32 $0xFFFFFFFF  }
0xa2: {  	s24 =	simm.s32 $execute0_lowered;
	[smem:$0x3FD2] =	sst s23  }
0xa3: {  	s2 =	sshll.u32 s24, $0x1;
	_ =	strace $0x80000046;
	[dreg:$0x1] =	wrdreg $0xFFFFFFFF  }
0xa4: {  	s25 =	simm.s32 $_size_execute0_lowered;
	s0 =	sadd.s32 s0, s2;
	[dreg:$0x0] =	wrdreg $0x0  }
0xa5: {  	s2 =	sshll.u32 s25, $0x1;
	[dreg:$0x2] =	wrdreg s0  }
0xa6: {  	[dreg:$0x3] =	wrdreg s2  }
0xa7: {  	[dreg:$0x4] =	wrdreg $0xC0  }
0xa8: {  	_ =	task [dreg:s4], $0x5FFFF  }
0xa9: {  	[dreg:$0x1] =	wrdreg $0xFFFFFFFF  }
0xaa: {  	[dreg:$0x0] =	wrdreg $0x60  }
0xab: {  	[dreg:$0x2] =	wrdreg s22  }
0xac: {  	[dreg:$0x3] =	wrdreg $0x9  }
0xad: {  	_ =	task.clear_ibuf [dreg:s4], $0x4FFFF;
	_ =	strace $0x90000046  }
0xae: {  	s26 =	simm.s32 $0x9;
	_ =	strace $0x80000048  }
0xaf: {  	_ =	swait.ge [sflag:s26], $0x1  }
0xb0: {  	[sflag:s26] =	ssyncadd.s32 $0xFFFFFFFF  }
0xb1: {  	_ =	strace $0x90000048  }
0xb2: {  	_ =	sfence  }
0xb3: {  	s28 =	sld [smem:$0x0];
	_ =	sdelay $0x1  }
0xb4: {  	s29 =	srdreg.scid  }
0xb5: {  	s30 =	sshll.u32 s29, $0xD;
	s31 =	sshrl.u32 s29, $0x2  }
0xb6: {  	s1 =	sand.u32 $0x1, s29;
	s2 =	sand.u32 $0x4000, s30;
	s0 =	sadd.s32 s31, s28  }
0xb7: {  	s1 =	sor.u32 s2, s1;
	s0 =	sshll.u32 s0, $0x11  }
0xb8: {  	s0 =	sor.u32 s0, s1  }
0xb9: {  	s0 =	sadd.s32 $0x8F2B, s0  }
0xba: {  	[sflag:s0] =	ssyncadd.remote.s32 $0x1  }
0xbb: {  	_ =	sfence.sel $0xFFFF  }
0xbc: {  	[dreg:$0x0] =	wrdreg $0xFFFFFFFF;
	(pc) =	sbr.abs _section_cstart, $3  }
0xbd: {  	[dreg:$0x1] =	wrdreg $0xFFFFFFFF  }
0xbe: {  	_ =	task.clear_ibuf [dreg:s4], $0x2FFFF;
	_ =	strace $0x9FFFFFFF  }
0xbf: {  	(tm) =	ssettm $0x7FFFFFFF  }
tec
execute0_lowered:
.L_overlay_start_1:
0x0: {  	(tag) =	ssettag $0x1  }
0x1: {  	s3 =	rddreg [dreg:$0x0]  }
0x2: {  	s0 =	rddreg [dreg:$0x1];
	_ =	strace $0x80000047;
	s4 =	stileid.u32  }
0x3: {  	s5 =	simm.s32 $0x3E;
	s1 =	sadd.s32 $0x400, s3;
	p0 =	sne.s32 s4, $0x0  }
0x4: {  	[sflag:s5] =	ssyncpa.u1 $0x0;
	s6 =	simm.s32 @!p0 $0x1C3E;
	s2 =	simm.s32 @!p0 $0x0  }
0x5: {  	[spmem:s2], [sflag:s6] =	dma.local @!p0 [hbm:s1], $0x10  }
0x6: {  	s6 =	simm.s32 @!p0 $0x3E  }
0x7: {  	_ =	swait.ge @!p0 [sflag:s6], $0x10  }
0x8: {  	[sflag:s6] =	ssyncset.done @!p0 $0x0  }
0x9: {  	[sflag:s6] =	ssyncadd.s32 @!p0 $0xFFFFFFF0  }
0xa: {  	s12 =	simm.s32 $0x1;
	s13 =	simm.s32 $0x2;
	[bflag:$0x0] =	sbarrier.arrive $0xFFFF  }
0xb: {  	s8 =	simm.s32 $0x0;
	s9 =	simm.s32 $0x88;
	[sflag:s5] =	ssyncpa.u1 $0x1  }
0xc: {  	s7 =	sadd.s32 $0x600, s3;
	s4 =	sshll.u32 s4, $0x4;
	[sflag:s12] =	ssyncpa.u1 $0x0  }
0xd: {  	s3 =	sadd.s32 s3, s4;
	(ifvalue) =	ssetifvalue $0x80;
	[sflag:s13] =	ssyncpa.u1 $0x0  }
0xe: {  	[tilespmem:s9], [sflag:$0x2] =	stream.linear.gather [hbm4b:s3+s8], $0x80, $0x38;
	[tilespmem:$0x208] =	vst v63  }
0xf: {  	s15 =	simm.s32 $0x188;
	s14 =	sadd.s32 s7, s4  }
0x10: {  	[tilespmem:s15], [sflag:$0x2] =	stream.linear.gather [hbm4b:s14+s8], $0x80, $0x38;
	[tilespmem:$0x208] =	vst v63  }
0x11: {  	_ =	swait.ge [sflag:s13], $0x100  }
0x12: {  	[sflag:s13] =	ssyncset.done $0x0  }
0x13: {  	[sflag:s13] =	ssyncadd.s32 $0xFFFFFF00  }
0x14: {  	v0 =	vld.msk [tilespmem:s9+$0x0 ss:$0x1], $0xffff;
	_ =	sdelay $0x4  }
0x15: {  	v0 =	vmin.u32 v0, $0x80;
	_ =	sdelay $0x3  }
0x16: {  	vm0 =	vmmov $0xffff;
	s16 =	simm.s32 $0x98  }
0x17: {  	[spmem:s8] =	stream.indirect_vreg.scatter.add.s32 [tilespmem:s15], [sflag:$0x1], $0x1, v0, vm0, $0x4038;
	[tilespmem:$0x208] =	vst v63  }
0x18: {  	v0 =	vld.msk [tilespmem:s16+$0x0 ss:$0x1], $0xffff;
	_ =	sdelay $0x4  }
0x19: {  	v0 =	vmin.u32 v0, $0x80;
	_ =	sdelay $0x3  }
0x1a: {  	s17 =	simm.s32 $0x198;
	s18 =	simm.s32 $0xA8  }
0x1b: {  	[spmem:s8] =	stream.indirect_vreg.scatter.add.s32 [tilespmem:s17], [sflag:$0x1], $0x1, v0, vm0, $0x4038;
	[tilespmem:$0x208] =	vst v63  }
0x1c: {  	v0 =	vld.msk [tilespmem:s18+$0x0 ss:$0x1], $0xffff;
	_ =	sdelay $0x4  }
0x1d: {  	v0 =	vmin.u32 v0, $0x80;
	_ =	sdelay $0x3  }
0x1e: {  	s19 =	simm.s32 $0x1A8;
	s20 =	simm.s32 $0xB8  }
0x1f: {  	[spmem:s8] =	stream.indirect_vreg.scatter.add.s32 [tilespmem:s19], [sflag:$0x1], $0x1, v0, vm0, $0x4038;
	[tilespmem:$0x208] =	vst v63  }
0x20: {  	v0 =	vld.msk [tilespmem:s20+$0x0 ss:$0x1], $0xffff;
	_ =	sdelay $0x4  }
0x21: {  	v0 =	vmin.u32 v0, $0x80;
	_ =	sdelay $0x3  }
0x22: {  	s21 =	simm.s32 $0x1B8;
	s22 =	simm.s32 $0xC8  }
0x23: {  	[spmem:s8] =	stream.indirect_vreg.scatter.add.s32 [tilespmem:s21], [sflag:$0x1], $0x1, v0, vm0, $0x4038;
	[tilespmem:$0x208] =	vst v63  }
0x24: {  	v0 =	vld.msk [tilespmem:s22+$0x0 ss:$0x1], $0xffff;
	_ =	sdelay $0x4  }
0x25: {  	v0 =	vmin.u32 v0, $0x80;
	_ =	sdelay $0x3  }
0x26: {  	s23 =	simm.s32 $0x1C8;
	s24 =	simm.s32 $0xD8  }
0x27: {  	[spmem:s8] =	stream.indirect_vreg.scatter.add.s32 [tilespmem:s23], [sflag:$0x1], $0x1, v0, vm0, $0x4038;
	[tilespmem:$0x208] =	vst v63  }
0x28: {  	v0 =	vld.msk [tilespmem:s24+$0x0 ss:$0x1], $0xffff;
	_ =	sdelay $0x4  }
0x29: {  	v0 =	vmin.u32 v0, $0x80;
	_ =	sdelay $0x3  }
0x2a: {  	s25 =	simm.s32 $0x1D8;
	s26 =	simm.s32 $0xE8  }
0x2b: {  	[spmem:s8] =	stream.indirect_vreg.scatter.add.s32 [tilespmem:s25], [sflag:$0x1], $0x1, v0, vm0, $0x4038;
	[tilespmem:$0x208] =	vst v63  }
0x2c: {  	v0 =	vld.msk [tilespmem:s26+$0x0 ss:$0x1], $0xffff;
	_ =	sdelay $0x4  }
0x2d: {  	v0 =	vmin.u32 v0, $0x80;
	_ =	sdelay $0x3  }
0x2e: {  	s28 =	simm.s32 $0x1E8;
	s29 =	simm.s32 $0xF8  }
0x2f: {  	[spmem:s8] =	stream.indirect_vreg.scatter.add.s32 [tilespmem:s28], [sflag:$0x1], $0x1, v0, vm0, $0x4038;
	[tilespmem:$0x208] =	vst v63  }
0x30: {  	v0 =	vld.msk [tilespmem:s29+$0x0 ss:$0x1], $0xffff;
	_ =	sdelay $0x4  }
0x31: {  	v0 =	vmin.u32 v0, $0x80;
	_ =	sdelay $0x3  }
0x32: {  	s30 =	simm.s32 $0x1F8  }
0x33: {  	[spmem:s8] =	stream.indirect_vreg.scatter.add.s32 [tilespmem:s30], [sflag:$0x1], $0x1, v0, vm0, $0x4038;
	[tilespmem:$0x208] =	vst v63  }
0x34: {  	_ =	swait.ge [sflag:s12], $0x80  }
0x35: {  	[sflag:s12] =	ssyncset.done $0x0  }
0x36: {  	[sflag:s12] =	ssyncadd.s32 $0xFFFFFF80  }
0x37: {  	_ =	sfence.sel $0x180000  }
0x38: {  	[bflag:$0x0] =	sbarrier.arrive $0xFFFF  }
0x39: {  	[sflag:s13] =	ssyncpa.u1 $0x1  }
0x3a: {  	[sflag:s12] =	ssyncpa.u1 $0x1  }
0x3b: {  	_ =	sfence.stream.spmem  }
0x3c: {  	s31 =	simm.s32 $0x3D;
	[bflag:$0x0] =	sbarrier.arrive $0xFFFF  }
0x3d: {  	s3 =	simm.s32 @p0 $0x3D;
	[sflag:s31] =	ssyncpa.u1 $0x0  }
0x3e: {  	[sflag:s3] =	ssyncpa.u1 @p0 $0x1  }
0x3f: {  	[bflag:$0x0] =	sbarrier.arrive @p0 $0xFFFF  }
0x40: {  	_ =	strace @p0 $0x90000047  }
0x41: {  	s3 =	simm.s32 @!p0 $0x1C3D;
	[bflag:$0x2] =	sbarrier.arrive @p0 $0xFFFF  }
0x42: {  	[hbm:s1], [sflag:s3] =	dma.local @!p0 [spmem:s2], $0x10  }
0x43: {  	s1 =	simm.s32 @!p0 $0x3D  }
0x44: {  	_ =	swait.ge @!p0 [sflag:s1], $0x10  }
0x45: {  	[sflag:s1] =	ssyncset.done @!p0 $0x0  }
0x46: {  	[sflag:s1] =	ssyncadd.s32 @!p0 $0xFFFFFFF0  }
0x47: {  	[sflag:s1] =	ssyncpa.u1 @!p0 $0x1  }
0x48: {  	[bflag:$0x0] =	sbarrier.arrive @!p0 $0xFFFF  }
0x49: {  	_ =	strace @!p0 $0x90000047  }
0x4a: {  	s0 =	sadd.s32 @!p0 $0x100000, s0;
	[bflag:$0x2] =	sbarrier.arrive @!p0 $0xFFFF  }
0x4b: {  	[sflag:s0] =	ssyncadd.tile.s32 @!p0 $0x1;
	_ =	shalt  }
.Lfunc_end2:
_tile_overlayer_lowered:
.L_overlay_start_2:
0x4c: {  	(tag) =	ssettag $0x2  }
0x4d: {  	s0 =	rddreg [dreg:$0x0];
	s2 =	stileid.u32  }
0x4e: {  	s1 =	rddreg [dreg:$0x1];
	p0 =	sne.s32 s2, $0x0  }
0x4f: {  	s3 =	rddreg [dreg:$0x2];
	[bflag:$0x3] =	sbarrier.arrive $0xFFFF;
	s2 =	simm.s32 @!p0 $0x1C01  }
0x50: {  	[timem:s3], [sflag:s2] =	dma.local @!p0 [hbm:s0], s1  }
0x51: {  	s0 =	simm.s32 @!p0 $0x1  }
0x52: {  	_ =	swait.ge @!p0 [sflag:s0], s1  }
0x53: {  	s1 =	ssub.s32 @!p0 $0x0, s1;
	[sflag:s0] =	ssyncset.done @!p0 $0x0  }
0x54: {  	[sflag:s0] =	ssyncadd.s32 @!p0 s1  }
0x55: {  	[bflag:$0x3] =	sbarrier.arrive $0xFFFF  }
0x56: {  	_ =	shalt  }

</sc_bundles>
